<compile_context>
chip_gen: v7x
topology: tpu7x:2x2x1
jax: 0.10.2.dev20260603
libtpu: 0.0.44.dev20260713+nightly
codegen_flags: <defaults>
</compile_context>

<pallas_src>
import functools

import jax
import jax.numpy as jnp
from jax import lax
from jax.experimental import pallas as pl
from jax.experimental.pallas import tpu as pltpu
from jax.experimental.pallas import tpu_sc as plsc

D_MODEL = 128
CHUNK = 128
K = 2


def _make_sc_gather(n_rows: int, nw: int, nc: int):
    rows_per_w = n_rows // nw
    n_chunks = rows_per_w // CHUNK
    n_pairs = n_chunks // (2 * K)
    mesh = plsc.VectorSubcoreMesh(core_axis_name="c", subcore_axis_name="s")

    @functools.partial(
        pl.kernel,
        mesh=mesh,
        out_type=jax.ShapeDtypeStruct((n_rows, D_MODEL), jnp.float32),
        scratch_types=[
            pltpu.VMEM((n_chunks, CHUNK), jnp.int32),
            pltpu.VMEM((2 * K, CHUNK, D_MODEL), jnp.float32),
            pltpu.VMEM_SHARED((200, D_MODEL), jnp.float32),
            pltpu.SemaphoreType.DMA,
            pltpu.SemaphoreType.DMA,
            pltpu.SemaphoreType.DMA,
            pltpu.SemaphoreType.DMA,
        ],
    )
    def k(idx_hbm, pe_hbm, out_hbm, idx_v, rows_v, pe_sh, gsem_a, gsem_b, ssem_a, ssem_b):
        sid = lax.axis_index("s")
        wid = sid * nc + lax.axis_index("c")
        base = wid * rows_per_w
        @pl.when(sid == 0)
        def _():
            pltpu.sync_copy(pe_hbm, pe_sh)

        pltpu.sync_copy(idx_hbm.at[wid], idx_v)
        plsc.subcore_barrier()

        def start_g(j, b, sem):
            pltpu.async_copy(pe_sh.at[idx_v.at[j]], rows_v.at[b], sem)

        def drain_g(b, sem):
            pltpu.make_async_copy(pe_sh.at[idx_v.at[0]], rows_v.at[b], sem).wait()

        def start_s(j, b, sem):
            pltpu.async_copy(rows_v.at[b], out_hbm.at[pl.ds(base + j * CHUNK, CHUNK)], sem)

        def drain_s(b, sem):
            pltpu.make_async_copy(rows_v.at[b], out_hbm.at[pl.ds(base, CHUNK)], sem).wait()

        for b in range(K):
            start_g(b, b, gsem_a)
        for b in range(K):
            start_g(K + b, K + b, gsem_b)

        def body(p, _):
            c0 = p * 2 * K
            for b in range(K):
                drain_g(b, gsem_a)
            for b in range(K):
                start_s(c0 + b, b, ssem_a)
            for b in range(K):
                drain_g(K + b, gsem_b)
            for b in range(K):
                start_s(c0 + K + b, K + b, ssem_b)
            for b in range(K):
                drain_s(b, ssem_a)
            for b in range(K):
                start_g(c0 + 2 * K + b, b, gsem_a)
            for b in range(K):
                drain_s(K + b, ssem_b)
            for b in range(K):
                start_g(c0 + 3 * K + b, K + b, gsem_b)
            return _

        lax.fori_loop(0, n_pairs - 1, body, None)

        cl = (n_pairs - 1) * 2 * K
        for b in range(K):
            drain_g(b, gsem_a)
        for b in range(K):
            start_s(cl + b, b, ssem_a)
        for b in range(K):
            drain_g(K + b, gsem_b)
        for b in range(K):
            start_s(cl + K + b, K + b, ssem_b)
        for b in range(K):
            drain_s(b, ssem_a)
        for b in range(K):
            drain_s(K + b, ssem_b)

    return k


def kernel(x, pe):
    b, s = x.shape
    n_rows = b * s
    info = plsc.get_sparse_core_info()
    nc, ns = info.num_cores, info.num_subcores
    nw = nc * ns
    rows_per_w = n_rows // nw
    idx = x.reshape(nw, rows_per_w // CHUNK, CHUNK).astype(jnp.int32)
    out = _make_sc_gather(n_rows, nw, nc)(idx, pe)
    return out.reshape(b, s, D_MODEL)

# --- scband reference (transcript-rebuilt; emitter-appended) ---
"""Pipeline reference for scband-identifier-encoder-54030688584296 (READ-ONLY COPY).

The authoritative reference and input builder live on the scoring server;
editing this copy changes nothing except your own understanding.
"""

import jax, jax.numpy as jnp
import numpy as np
import math

D_MODEL = 128
MAX_SEQ_LEN = 200
BASE = 5

def _build_pe():
    pe = np.zeros((MAX_SEQ_LEN, D_MODEL), dtype=np.float32)
    pos = np.arange(MAX_SEQ_LEN, dtype=np.float64)[:, None]
    i = np.arange(0, D_MODEL, 2, dtype=np.float64)[None, :]
    div = BASE ** (2.0 * i / D_MODEL)
    pe[:, 0::2] = np.sin(pos / div).astype(np.float32)
    pe[:, 1::2] = np.cos(pos / div).astype(np.float32)
    return jnp.asarray(pe)

def setup_inputs(seed: int = 0) -> dict:
    key = jax.random.key(seed)
    x = jax.random.randint(key, (4096, 200), 0, MAX_SEQ_LEN, dtype=jnp.int64 if jax.config.read('jax_enable_x64') else jnp.int32)
    pe = _build_pe()
    return {"x": x, "pe": pe}

def reference(x, pe):
    # Faithful translation of: x = self.pe[x]
    return jnp.take(pe, x, axis=0)

if __name__ == "__main__":
    import jax
    _d = setup_inputs()
    print(jax.jit(kernel)(*tuple(_d.values())))

</pallas_src>

<mosaic_0001>
#map = affine_map<(d0, d1) -> (0, 0, 0)>
#map1 = affine_map<(d0, d1) -> (0, 0)>
module attributes {stable_mosaic.version = 14 : i64} {
  func.func @k(%arg0: i32, %arg1: i32, %arg2: memref<32x200x128xi32, #tpu.memory_space<hbm>>, %arg3: memref<200x128xf32, #tpu.memory_space<hbm>>, %arg4: memref<819200x128xf32, #tpu.memory_space<hbm>>, %arg5: memref<200x128xi32, #tpu.memory_space<vmem>>, %arg6: memref<4x128x128xf32, #tpu.memory_space<vmem>>, %arg7: memref<200x128xf32, #tpu.memory_space<vmem_shared>>, %arg8: memref<!tpu.dma_semaphore, #tpu.memory_space<semaphore_mem>>, %arg9: memref<!tpu.dma_semaphore, #tpu.memory_space<semaphore_mem>>, %arg10: memref<!tpu.dma_semaphore, #tpu.memory_space<semaphore_mem>>, %arg11: memref<!tpu.dma_semaphore, #tpu.memory_space<semaphore_mem>>) attributes {dimension_semantics = [#tpu.dimension_semantics<core_parallel>, #tpu.dimension_semantics<subcore_parallel>], iteration_bounds = array<i64: 2, 16>, scalar_prefetch = 0 : i64, scratch_operands = 7 : i64, tpu.core_type = #tpu.core_type<sc_vector_subcore>, window_params = [{transform_indices = #map}, {transform_indices = #map1}, {transform_indices = #map1}]} {
    %mul3A = arith.constant 2 : i32
    %mul3A_0 = arith.muli %arg1, %mul3A : i32
    %add3A = arith.addi %mul3A_0, %arg0 : i32
    %mul3A_1 = arith.constant 25600 : i32
    %mul3A_2 = arith.muli %add3A, %mul3A_1 : i32
    %eq3A = arith.constant 0 : i32
    %eq3A_3 = arith.cmpi eq, %arg1, %eq3A : i32
    %convert_element_type3A = arith.extui %eq3A_3 : i1 to i32
    %cond3A = arith.constant 0 : i32
    %cond3A_4 = arith.cmpi ne, %convert_element_type3A, %cond3A : i32
    scf.if %cond3A_4 {
      "tpu.region"() ({
        %run_scoped3A = tpu.sem_alloc : memref<!tpu.dma_semaphore, #tpu.memory_space<semaphore_mem>>
        tpu.enqueue_dma source(%arg3 : memref<200x128xf32, #tpu.memory_space<hbm>>) target(%arg7 : memref<200x128xf32, #tpu.memory_space<vmem_shared>>) target_semaphore(%run_scoped3A : memref<!tpu.dma_semaphore, #tpu.memory_space<semaphore_mem>>)
        tpu.wait_dma2 semaphore(%run_scoped3A : memref<!tpu.dma_semaphore, #tpu.memory_space<semaphore_mem>>) src(%arg3 : memref<200x128xf32, #tpu.memory_space<hbm>>) dst(%arg7 : memref<200x128xf32, #tpu.memory_space<vmem_shared>>)
        tpu.yield
      }) : () -> ()
    } else {
    }
    "tpu.region"() ({
      %run_scoped3A = tpu.sem_alloc : memref<!tpu.dma_semaphore, #tpu.memory_space<semaphore_mem>>
      %dma_start3A_215 = arith.constant 0 : i32
      %dma_start3A_216 = arith.constant 0 : i32
      %dma_start3A_217 = tpu.memref_slice %arg2[%add3A, %dma_start3A_215, %dma_start3A_216] : memref<32x200x128xi32, #tpu.memory_space<hbm>> -> memref<1x200x128xi32, #tpu.memory_space<hbm>>
      %dma_start3A_218 = tpu.memref_squeeze %dma_start3A_217 : memref<1x200x128xi32, #tpu.memory_space<hbm>> -> memref<200x128xi32, #tpu.memory_space<hbm>>
      %dma_start3A_219 = arith.constant 0 : i32
      %dma_start3A_220 = arith.constant 0 : i32
      %dma_start3A_221 = tpu.memref_slice %arg2[%add3A, %dma_start3A_219, %dma_start3A_220] : memref<32x200x128xi32, #tpu.memory_space<hbm>> -> memref<1x200x128xi32, #tpu.memory_space<hbm>>
      %dma_start3A_222 = tpu.memref_squeeze %dma_start3A_221 : memref<1x200x128xi32, #tpu.memory_space<hbm>> -> memref<200x128xi32, #tpu.memory_space<hbm>>
      tpu.enqueue_dma source(%dma_start3A_222 : memref<200x128xi32, #tpu.memory_space<hbm>>) target(%arg5 : memref<200x128xi32, #tpu.memory_space<vmem>>) target_semaphore(%run_scoped3A : memref<!tpu.dma_semaphore, #tpu.memory_space<semaphore_mem>>)
      %dma_wait3A_223 = arith.constant 0 : i32
      %dma_wait3A_224 = arith.constant 0 : i32
      %dma_wait3A_225 = tpu.memref_slice %arg2[%add3A, %dma_wait3A_223, %dma_wait3A_224] : memref<32x200x128xi32, #tpu.memory_space<hbm>> -> memref<1x200x128xi32, #tpu.memory_space<hbm>>
      %dma_wait3A_226 = tpu.memref_squeeze %dma_wait3A_225 : memref<1x200x128xi32, #tpu.memory_space<hbm>> -> memref<200x128xi32, #tpu.memory_space<hbm>>
      %dma_wait3A_227 = arith.constant 0 : i32
      %dma_wait3A_228 = arith.constant 0 : i32
      %dma_wait3A_229 = tpu.memref_slice %arg2[%add3A, %dma_wait3A_227, %dma_wait3A_228] : memref<32x200x128xi32, #tpu.memory_space<hbm>> -> memref<1x200x128xi32, #tpu.memory_space<hbm>>
      %dma_wait3A_230 = tpu.memref_squeeze %dma_wait3A_229 : memref<1x200x128xi32, #tpu.memory_space<hbm>> -> memref<200x128xi32, #tpu.memory_space<hbm>>
      tpu.wait_dma2 semaphore(%run_scoped3A : memref<!tpu.dma_semaphore, #tpu.memory_space<semaphore_mem>>) src(%dma_wait3A_230 : memref<200x128xi32, #tpu.memory_space<hbm>>) dst(%arg5 : memref<200x128xi32, #tpu.memory_space<vmem>>)
      tpu.yield
    }) : () -> ()
    %barrier3A = arith.constant 0 : index
    tpu.barrier barrier_id(%barrier3A)
    %dma_start3A = arith.constant 0 : i32
    %dma_start3A_5 = arith.constant 0 : i32
    %dma_start3A_6 = arith.constant 0 : i32
    %dma_start3A_7 = arith.constant 0 : i32
    %dma_start3A_8 = tpu.memref_slice %arg6[%dma_start3A_5, %dma_start3A_6, %dma_start3A_7] : memref<4x128x128xf32, #tpu.memory_space<vmem>> -> memref<1x128x128xf32, #tpu.memory_space<vmem>>
    %dma_start3A_9 = tpu.memref_squeeze %dma_start3A_8 : memref<1x128x128xf32, #tpu.memory_space<vmem>> -> memref<128x128xf32, #tpu.memory_space<vmem>>
    %dma_start3A_10 = arith.constant 0 : i32
    %dma_start3A_11 = tpu.memref_slice %arg5[%dma_start3A, %dma_start3A_10] : memref<200x128xi32, #tpu.memory_space<vmem>> -> memref<1x128xi32, #tpu.memory_space<vmem>>
    %dma_start3A_12 = tpu.memref_squeeze %dma_start3A_11 : memref<1x128xi32, #tpu.memory_space<vmem>> -> memref<128xi32, #tpu.memory_space<vmem>>
    %dma_start3A_13 = arith.constant 0 : i32
    %dma_start3A_14 = arith.constant 0 : i32
    %dma_start3A_15 = tpu.memref_slice %arg7[%dma_start3A_13, %dma_start3A_14] : memref<200x128xf32, #tpu.memory_space<vmem_shared>> -> memref<200x128xf32, #tpu.memory_space<vmem_shared>>
    tpu.enqueue_indirect_dma source(%dma_start3A_15 : memref<200x128xf32, #tpu.memory_space<vmem_shared>>) target(%dma_start3A_9 : memref<128x128xf32, #tpu.memory_space<vmem>>) offsets(%dma_start3A_12 : memref<128xi32, #tpu.memory_space<vmem>>) semaphore(%arg8 : memref<!tpu.dma_semaphore, #tpu.memory_space<semaphore_mem>>)
    %dma_start3A_16 = arith.constant 1 : i32
    %dma_start3A_17 = arith.constant 1 : i32
    %dma_start3A_18 = arith.constant 0 : i32
    %dma_start3A_19 = arith.constant 0 : i32
    %dma_start3A_20 = tpu.memref_slice %arg6[%dma_start3A_17, %dma_start3A_18, %dma_start3A_19] : memref<4x128x128xf32, #tpu.memory_space<vmem>> -> memref<1x128x128xf32, #tpu.memory_space<vmem>>
    %dma_start3A_21 = tpu.memref_squeeze %dma_start3A_20 : memref<1x128x128xf32, #tpu.memory_space<vmem>> -> memref<128x128xf32, #tpu.memory_space<vmem>>
    %dma_start3A_22 = arith.constant 0 : i32
    %dma_start3A_23 = tpu.memref_slice %arg5[%dma_start3A_16, %dma_start3A_22] : memref<200x128xi32, #tpu.memory_space<vmem>> -> memref<1x128xi32, #tpu.memory_space<vmem>>
    %dma_start3A_24 = tpu.memref_squeeze %dma_start3A_23 : memref<1x128xi32, #tpu.memory_space<vmem>> -> memref<128xi32, #tpu.memory_space<vmem>>
    %dma_start3A_25 = arith.constant 0 : i32
    %dma_start3A_26 = arith.constant 0 : i32
    %dma_start3A_27 = tpu.memref_slice %arg7[%dma_start3A_25, %dma_start3A_26] : memref<200x128xf32, #tpu.memory_space<vmem_shared>> -> memref<200x128xf32, #tpu.memory_space<vmem_shared>>
    tpu.enqueue_indirect_dma source(%dma_start3A_27 : memref<200x128xf32, #tpu.memory_space<vmem_shared>>) target(%dma_start3A_21 : memref<128x128xf32, #tpu.memory_space<vmem>>) offsets(%dma_start3A_24 : memref<128xi32, #tpu.memory_space<vmem>>) semaphore(%arg8 : memref<!tpu.dma_semaphore, #tpu.memory_space<semaphore_mem>>)
    %dma_start3A_28 = arith.constant 2 : i32
    %dma_start3A_29 = arith.constant 2 : i32
    %dma_start3A_30 = arith.constant 0 : i32
    %dma_start3A_31 = arith.constant 0 : i32
    %dma_start3A_32 = tpu.memref_slice %arg6[%dma_start3A_29, %dma_start3A_30, %dma_start3A_31] : memref<4x128x128xf32, #tpu.memory_space<vmem>> -> memref<1x128x128xf32, #tpu.memory_space<vmem>>
    %dma_start3A_33 = tpu.memref_squeeze %dma_start3A_32 : memref<1x128x128xf32, #tpu.memory_space<vmem>> -> memref<128x128xf32, #tpu.memory_space<vmem>>
    %dma_start3A_34 = arith.constant 0 : i32
    %dma_start3A_35 = tpu.memref_slice %arg5[%dma_start3A_28, %dma_start3A_34] : memref<200x128xi32, #tpu.memory_space<vmem>> -> memref<1x128xi32, #tpu.memory_space<vmem>>
    %dma_start3A_36 = tpu.memref_squeeze %dma_start3A_35 : memref<1x128xi32, #tpu.memory_space<vmem>> -> memref<128xi32, #tpu.memory_space<vmem>>
    %dma_start3A_37 = arith.constant 0 : i32
    %dma_start3A_38 = arith.constant 0 : i32
    %dma_start3A_39 = tpu.memref_slice %arg7[%dma_start3A_37, %dma_start3A_38] : memref<200x128xf32, #tpu.memory_space<vmem_shared>> -> memref<200x128xf32, #tpu.memory_space<vmem_shared>>
    tpu.enqueue_indirect_dma source(%dma_start3A_39 : memref<200x128xf32, #tpu.memory_space<vmem_shared>>) target(%dma_start3A_33 : memref<128x128xf32, #tpu.memory_space<vmem>>) offsets(%dma_start3A_36 : memref<128xi32, #tpu.memory_space<vmem>>) semaphore(%arg9 : memref<!tpu.dma_semaphore, #tpu.memory_space<semaphore_mem>>)
    %dma_start3A_40 = arith.constant 3 : i32
    %dma_start3A_41 = arith.constant 3 : i32
    %dma_start3A_42 = arith.constant 0 : i32
    %dma_start3A_43 = arith.constant 0 : i32
    %dma_start3A_44 = tpu.memref_slice %arg6[%dma_start3A_41, %dma_start3A_42, %dma_start3A_43] : memref<4x128x128xf32, #tpu.memory_space<vmem>> -> memref<1x128x128xf32, #tpu.memory_space<vmem>>
    %dma_start3A_45 = tpu.memref_squeeze %dma_start3A_44 : memref<1x128x128xf32, #tpu.memory_space<vmem>> -> memref<128x128xf32, #tpu.memory_space<vmem>>
    %dma_start3A_46 = arith.constant 0 : i32
    %dma_start3A_47 = tpu.memref_slice %arg5[%dma_start3A_40, %dma_start3A_46] : memref<200x128xi32, #tpu.memory_space<vmem>> -> memref<1x128xi32, #tpu.memory_space<vmem>>
    %dma_start3A_48 = tpu.memref_squeeze %dma_start3A_47 : memref<1x128xi32, #tpu.memory_space<vmem>> -> memref<128xi32, #tpu.memory_space<vmem>>
    %dma_start3A_49 = arith.constant 0 : i32
    %dma_start3A_50 = arith.constant 0 : i32
    %dma_start3A_51 = tpu.memref_slice %arg7[%dma_start3A_49, %dma_start3A_50] : memref<200x128xf32, #tpu.memory_space<vmem_shared>> -> memref<200x128xf32, #tpu.memory_space<vmem_shared>>
    tpu.enqueue_indirect_dma source(%dma_start3A_51 : memref<200x128xf32, #tpu.memory_space<vmem_shared>>) target(%dma_start3A_45 : memref<128x128xf32, #tpu.memory_space<vmem>>) offsets(%dma_start3A_48 : memref<128xi32, #tpu.memory_space<vmem>>) semaphore(%arg9 : memref<!tpu.dma_semaphore, #tpu.memory_space<semaphore_mem>>)
    %scan3A = arith.constant 0 : i32
    %scan3A_52 = arith.constant 49 : i32
    %scan3A_53 = arith.addi %scan3A, %scan3A_52 : i32
    %scan3A_54 = arith.constant 1 : i32
    scf.for %scan3A_215 = %scan3A to %scan3A_53 step %scan3A_54  : i32 {
      %mul3A_216 = arith.constant 2 : i32
      %mul3A_217 = arith.muli %scan3A_215, %mul3A_216 : i32
      %mul3A_218 = arith.constant 2 : i32
      %mul3A_219 = arith.muli %mul3A_217, %mul3A_218 : i32
      %dma_wait3A_220 = arith.constant 0 : i32
      %dma_wait3A_221 = arith.constant 0 : i32
      %dma_wait3A_222 = arith.constant 0 : i32
      %dma_wait3A_223 = arith.constant 0 : i32
      %dma_wait3A_224 = tpu.memref_slice %arg6[%dma_wait3A_221, %dma_wait3A_222, %dma_wait3A_223] : memref<4x128x128xf32, #tpu.memory_space<vmem>> -> memref<1x128x128xf32, #tpu.memory_space<vmem>>
      %dma_wait3A_225 = tpu.memref_squeeze %dma_wait3A_224 : memref<1x128x128xf32, #tpu.memory_space<vmem>> -> memref<128x128xf32, #tpu.memory_space<vmem>>
      %dma_wait3A_226 = arith.constant 0 : i32
      %dma_wait3A_227 = tpu.memref_slice %arg5[%dma_wait3A_220, %dma_wait3A_226] : memref<200x128xi32, #tpu.memory_space<vmem>> -> memref<1x128xi32, #tpu.memory_space<vmem>>
      %dma_wait3A_228 = tpu.memref_squeeze %dma_wait3A_227 : memref<1x128xi32, #tpu.memory_space<vmem>> -> memref<128xi32, #tpu.memory_space<vmem>>
      %dma_wait3A_229 = arith.constant 0 : i32
      %dma_wait3A_230 = arith.constant 0 : i32
      %dma_wait3A_231 = tpu.memref_slice %arg7[%dma_wait3A_229, %dma_wait3A_230] : memref<200x128xf32, #tpu.memory_space<vmem_shared>> -> memref<200x128xf32, #tpu.memory_space<vmem_shared>>
      tpu.wait_indirect_dma semaphore(%arg8 : memref<!tpu.dma_semaphore, #tpu.memory_space<semaphore_mem>>) src(%dma_wait3A_231 : memref<200x128xf32, #tpu.memory_space<vmem_shared>>) dst(%dma_wait3A_225 : memref<128x128xf32, #tpu.memory_space<vmem>>)
      %dma_wait3A_232 = arith.constant 0 : i32
      %dma_wait3A_233 = arith.constant 1 : i32
      %dma_wait3A_234 = arith.constant 0 : i32
      %dma_wait3A_235 = arith.constant 0 : i32
      %dma_wait3A_236 = tpu.memref_slice %arg6[%dma_wait3A_233, %dma_wait3A_234, %dma_wait3A_235] : memref<4x128x128xf32, #tpu.memory_space<vmem>> -> memref<1x128x128xf32, #tpu.memory_space<vmem>>
      %dma_wait3A_237 = tpu.memref_squeeze %dma_wait3A_236 : memref<1x128x128xf32, #tpu.memory_space<vmem>> -> memref<128x128xf32, #tpu.memory_space<vmem>>
      %dma_wait3A_238 = arith.constant 0 : i32
      %dma_wait3A_239 = tpu.memref_slice %arg5[%dma_wait3A_232, %dma_wait3A_238] : memref<200x128xi32, #tpu.memory_space<vmem>> -> memref<1x128xi32, #tpu.memory_space<vmem>>
      %dma_wait3A_240 = tpu.memref_squeeze %dma_wait3A_239 : memref<1x128xi32, #tpu.memory_space<vmem>> -> memref<128xi32, #tpu.memory_space<vmem>>
      %dma_wait3A_241 = arith.constant 0 : i32
      %dma_wait3A_242 = arith.constant 0 : i32
      %dma_wait3A_243 = tpu.memref_slice %arg7[%dma_wait3A_241, %dma_wait3A_242] : memref<200x128xf32, #tpu.memory_space<vmem_shared>> -> memref<200x128xf32, #tpu.memory_space<vmem_shared>>
      tpu.wait_indirect_dma semaphore(%arg8 : memref<!tpu.dma_semaphore, #tpu.memory_space<semaphore_mem>>) src(%dma_wait3A_243 : memref<200x128xf32, #tpu.memory_space<vmem_shared>>) dst(%dma_wait3A_237 : memref<128x128xf32, #tpu.memory_space<vmem>>)
      %add3A_244 = arith.constant 0 : i32
      %add3A_245 = arith.addi %mul3A_219, %add3A_244 : i32
      %mul3A_246 = arith.constant 128 : i32
      %mul3A_247 = arith.muli %add3A_245, %mul3A_246 : i32
      %add3A_248 = arith.addi %mul3A_2, %mul3A_247 : i32
      %dma_start3A_249 = arith.constant 0 : i32
      %dma_start3A_250 = arith.constant 0 : i32
      %dma_start3A_251 = arith.constant 0 : i32
      %dma_start3A_252 = tpu.memref_slice %arg6[%dma_start3A_249, %dma_start3A_250, %dma_start3A_251] : memref<4x128x128xf32, #tpu.memory_space<vmem>> -> memref<1x128x128xf32, #tpu.memory_space<vmem>>
      %dma_start3A_253 = tpu.memref_squeeze %dma_start3A_252 : memref<1x128x128xf32, #tpu.memory_space<vmem>> -> memref<128x128xf32, #tpu.memory_space<vmem>>
      %dma_start3A_254 = arith.constant 0 : i32
      %dma_start3A_255 = tpu.memref_slice %arg4[%add3A_248, %dma_start3A_254] : memref<819200x128xf32, #tpu.memory_space<hbm>> -> memref<128x128xf32, #tpu.memory_space<hbm>>
      %dma_start3A_256 = arith.constant 0 : i32
      %dma_start3A_257 = tpu.memref_slice %arg4[%add3A_248, %dma_start3A_256] : memref<819200x128xf32, #tpu.memory_space<hbm>> -> memref<128x128xf32, #tpu.memory_space<hbm>>
      %dma_start3A_258 = arith.constant 0 : i32
      %dma_start3A_259 = arith.constant 0 : i32
      %dma_start3A_260 = tpu.memref_slice %arg6[%dma_start3A_249, %dma_start3A_258, %dma_start3A_259] : memref<4x128x128xf32, #tpu.memory_space<vmem>> -> memref<1x128x128xf32, #tpu.memory_space<vmem>>
      %dma_start3A_261 = tpu.memref_squeeze %dma_start3A_260 : memref<1x128x128xf32, #tpu.memory_space<vmem>> -> memref<128x128xf32, #tpu.memory_space<vmem>>
      tpu.enqueue_dma source(%dma_start3A_261 : memref<128x128xf32, #tpu.memory_space<vmem>>) target(%dma_start3A_257 : memref<128x128xf32, #tpu.memory_space<hbm>>) target_semaphore(%arg10 : memref<!tpu.dma_semaphore, #tpu.memory_space<semaphore_mem>>)
      %add3A_262 = arith.constant 1 : i32
      %add3A_263 = arith.addi %mul3A_219, %add3A_262 : i32
      %mul3A_264 = arith.constant 128 : i32
      %mul3A_265 = arith.muli %add3A_263, %mul3A_264 : i32
      %add3A_266 = arith.addi %mul3A_2, %mul3A_265 : i32
      %dma_start3A_267 = arith.constant 1 : i32
      %dma_start3A_268 = arith.constant 0 : i32
      %dma_start3A_269 = arith.constant 0 : i32
      %dma_start3A_270 = tpu.memref_slice %arg6[%dma_start3A_267, %dma_start3A_268, %dma_start3A_269] : memref<4x128x128xf32, #tpu.memory_space<vmem>> -> memref<1x128x128xf32, #tpu.memory_space<vmem>>
      %dma_start3A_271 = tpu.memref_squeeze %dma_start3A_270 : memref<1x128x128xf32, #tpu.memory_space<vmem>> -> memref<128x128xf32, #tpu.memory_space<vmem>>
      %dma_start3A_272 = arith.constant 0 : i32
      %dma_start3A_273 = tpu.memref_slice %arg4[%add3A_266, %dma_start3A_272] : memref<819200x128xf32, #tpu.memory_space<hbm>> -> memref<128x128xf32, #tpu.memory_space<hbm>>
      %dma_start3A_274 = arith.constant 0 : i32
      %dma_start3A_275 = tpu.memref_slice %arg4[%add3A_266, %dma_start3A_274] : memref<819200x128xf32, #tpu.memory_space<hbm>> -> memref<128x128xf32, #tpu.memory_space<hbm>>
      %dma_start3A_276 = arith.constant 0 : i32
      %dma_start3A_277 = arith.constant 0 : i32
      %dma_start3A_278 = tpu.memref_slice %arg6[%dma_start3A_267, %dma_start3A_276, %dma_start3A_277] : memref<4x128x128xf32, #tpu.memory_space<vmem>> -> memref<1x128x128xf32, #tpu.memory_space<vmem>>
      %dma_start3A_279 = tpu.memref_squeeze %dma_start3A_278 : memref<1x128x128xf32, #tpu.memory_space<vmem>> -> memref<128x128xf32, #tpu.memory_space<vmem>>
      tpu.enqueue_dma source(%dma_start3A_279 : memref<128x128xf32, #tpu.memory_space<vmem>>) target(%dma_start3A_275 : memref<128x128xf32, #tpu.memory_space<hbm>>) target_semaphore(%arg10 : memref<!tpu.dma_semaphore, #tpu.memory_space<semaphore_mem>>)
      %dma_wait3A_280 = arith.constant 0 : i32
      %dma_wait3A_281 = arith.constant 2 : i32
      %dma_wait3A_282 = arith.constant 0 : i32
      %dma_wait3A_283 = arith.constant 0 : i32
      %dma_wait3A_284 = tpu.memref_slice %arg6[%dma_wait3A_281, %dma_wait3A_282, %dma_wait3A_283] : memref<4x128x128xf32, #tpu.memory_space<vmem>> -> memref<1x128x128xf32, #tpu.memory_space<vmem>>
      %dma_wait3A_285 = tpu.memref_squeeze %dma_wait3A_284 : memref<1x128x128xf32, #tpu.memory_space<vmem>> -> memref<128x128xf32, #tpu.memory_space<vmem>>
      %dma_wait3A_286 = arith.constant 0 : i32
      %dma_wait3A_287 = tpu.memref_slice %arg5[%dma_wait3A_280, %dma_wait3A_286] : memref<200x128xi32, #tpu.memory_space<vmem>> -> memref<1x128xi32, #tpu.memory_space<vmem>>
      %dma_wait3A_288 = tpu.memref_squeeze %dma_wait3A_287 : memref<1x128xi32, #tpu.memory_space<vmem>> -> memref<128xi32, #tpu.memory_space<vmem>>
      %dma_wait3A_289 = arith.constant 0 : i32
      %dma_wait3A_290 = arith.constant 0 : i32
      %dma_wait3A_291 = tpu.memref_slice %arg7[%dma_wait3A_289, %dma_wait3A_290] : memref<200x128xf32, #tpu.memory_space<vmem_shared>> -> memref<200x128xf32, #tpu.memory_space<vmem_shared>>
      tpu.wait_indirect_dma semaphore(%arg9 : memref<!tpu.dma_semaphore, #tpu.memory_space<semaphore_mem>>) src(%dma_wait3A_291 : memref<200x128xf32, #tpu.memory_space<vmem_shared>>) dst(%dma_wait3A_285 : memref<128x128xf32, #tpu.memory_space<vmem>>)
      %dma_wait3A_292 = arith.constant 0 : i32
      %dma_wait3A_293 = arith.constant 3 : i32
      %dma_wait3A_294 = arith.constant 0 : i32
      %dma_wait3A_295 = arith.constant 0 : i32
      %dma_wait3A_296 = tpu.memref_slice %arg6[%dma_wait3A_293, %dma_wait3A_294, %dma_wait3A_295] : memref<4x128x128xf32, #tpu.memory_space<vmem>> -> memref<1x128x128xf32, #tpu.memory_space<vmem>>
      %dma_wait3A_297 = tpu.memref_squeeze %dma_wait3A_296 : memref<1x128x128xf32, #tpu.memory_space<vmem>> -> memref<128x128xf32, #tpu.memory_space<vmem>>
      %dma_wait3A_298 = arith.constant 0 : i32
      %dma_wait3A_299 = tpu.memref_slice %arg5[%dma_wait3A_292, %dma_wait3A_298] : memref<200x128xi32, #tpu.memory_space<vmem>> -> memref<1x128xi32, #tpu.memory_space<vmem>>
      %dma_wait3A_300 = tpu.memref_squeeze %dma_wait3A_299 : memref<1x128xi32, #tpu.memory_space<vmem>> -> memref<128xi32, #tpu.memory_space<vmem>>
      %dma_wait3A_301 = arith.constant 0 : i32
      %dma_wait3A_302 = arith.constant 0 : i32
      %dma_wait3A_303 = tpu.memref_slice %arg7[%dma_wait3A_301, %dma_wait3A_302] : memref<200x128xf32, #tpu.memory_space<vmem_shared>> -> memref<200x128xf32, #tpu.memory_space<vmem_shared>>
      tpu.wait_indirect_dma semaphore(%arg9 : memref<!tpu.dma_semaphore, #tpu.memory_space<semaphore_mem>>) src(%dma_wait3A_303 : memref<200x128xf32, #tpu.memory_space<vmem_shared>>) dst(%dma_wait3A_297 : memref<128x128xf32, #tpu.memory_space<vmem>>)
      %add3A_304 = arith.constant 2 : i32
      %add3A_305 = arith.addi %mul3A_219, %add3A_304 : i32
      %add3A_306 = arith.constant 0 : i32
      %add3A_307 = arith.addi %add3A_305, %add3A_306 : i32
      %mul3A_308 = arith.constant 128 : i32
      %mul3A_309 = arith.muli %add3A_307, %mul3A_308 : i32
      %add3A_310 = arith.addi %mul3A_2, %mul3A_309 : i32
      %dma_start3A_311 = arith.constant 2 : i32
      %dma_start3A_312 = arith.constant 0 : i32
      %dma_start3A_313 = arith.constant 0 : i32
      %dma_start3A_314 = tpu.memref_slice %arg6[%dma_start3A_311, %dma_start3A_312, %dma_start3A_313] : memref<4x128x128xf32, #tpu.memory_space<vmem>> -> memref<1x128x128xf32, #tpu.memory_space<vmem>>
      %dma_start3A_315 = tpu.memref_squeeze %dma_start3A_314 : memref<1x128x128xf32, #tpu.memory_space<vmem>> -> memref<128x128xf32, #tpu.memory_space<vmem>>
      %dma_start3A_316 = arith.constant 0 : i32
      %dma_start3A_317 = tpu.memref_slice %arg4[%add3A_310, %dma_start3A_316] : memref<819200x128xf32, #tpu.memory_space<hbm>> -> memref<128x128xf32, #tpu.memory_space<hbm>>
      %dma_start3A_318 = arith.constant 0 : i32
      %dma_start3A_319 = tpu.memref_slice %arg4[%add3A_310, %dma_start3A_318] : memref<819200x128xf32, #tpu.memory_space<hbm>> -> memref<128x128xf32, #tpu.memory_space<hbm>>
      %dma_start3A_320 = arith.constant 0 : i32
      %dma_start3A_321 = arith.constant 0 : i32
      %dma_start3A_322 = tpu.memref_slice %arg6[%dma_start3A_311, %dma_start3A_320, %dma_start3A_321] : memref<4x128x128xf32, #tpu.memory_space<vmem>> -> memref<1x128x128xf32, #tpu.memory_space<vmem>>
      %dma_start3A_323 = tpu.memref_squeeze %dma_start3A_322 : memref<1x128x128xf32, #tpu.memory_space<vmem>> -> memref<128x128xf32, #tpu.memory_space<vmem>>
      tpu.enqueue_dma source(%dma_start3A_323 : memref<128x128xf32, #tpu.memory_space<vmem>>) target(%dma_start3A_319 : memref<128x128xf32, #tpu.memory_space<hbm>>) target_semaphore(%arg11 : memref<!tpu.dma_semaphore, #tpu.memory_space<semaphore_mem>>)
      %add3A_324 = arith.constant 2 : i32
      %add3A_325 = arith.addi %mul3A_219, %add3A_324 : i32
      %add3A_326 = arith.constant 1 : i32
      %add3A_327 = arith.addi %add3A_325, %add3A_326 : i32
      %mul3A_328 = arith.constant 128 : i32
      %mul3A_329 = arith.muli %add3A_327, %mul3A_328 : i32
      %add3A_330 = arith.addi %mul3A_2, %mul3A_329 : i32
      %dma_start3A_331 = arith.constant 3 : i32
      %dma_start3A_332 = arith.constant 0 : i32
      %dma_start3A_333 = arith.constant 0 : i32
      %dma_start3A_334 = tpu.memref_slice %arg6[%dma_start3A_331, %dma_start3A_332, %dma_start3A_333] : memref<4x128x128xf32, #tpu.memory_space<vmem>> -> memref<1x128x128xf32, #tpu.memory_space<vmem>>
      %dma_start3A_335 = tpu.memref_squeeze %dma_start3A_334 : memref<1x128x128xf32, #tpu.memory_space<vmem>> -> memref<128x128xf32, #tpu.memory_space<vmem>>
      %dma_start3A_336 = arith.constant 0 : i32
      %dma_start3A_337 = tpu.memref_slice %arg4[%add3A_330, %dma_start3A_336] : memref<819200x128xf32, #tpu.memory_space<hbm>> -> memref<128x128xf32, #tpu.memory_space<hbm>>
      %dma_start3A_338 = arith.constant 0 : i32
      %dma_start3A_339 = tpu.memref_slice %arg4[%add3A_330, %dma_start3A_338] : memref<819200x128xf32, #tpu.memory_space<hbm>> -> memref<128x128xf32, #tpu.memory_space<hbm>>
      %dma_start3A_340 = arith.constant 0 : i32
      %dma_start3A_341 = arith.constant 0 : i32
      %dma_start3A_342 = tpu.memref_slice %arg6[%dma_start3A_331, %dma_start3A_340, %dma_start3A_341] : memref<4x128x128xf32, #tpu.memory_space<vmem>> -> memref<1x128x128xf32, #tpu.memory_space<vmem>>
      %dma_start3A_343 = tpu.memref_squeeze %dma_start3A_342 : memref<1x128x128xf32, #tpu.memory_space<vmem>> -> memref<128x128xf32, #tpu.memory_space<vmem>>
      tpu.enqueue_dma source(%dma_start3A_343 : memref<128x128xf32, #tpu.memory_space<vmem>>) target(%dma_start3A_339 : memref<128x128xf32, #tpu.memory_space<hbm>>) target_semaphore(%arg11 : memref<!tpu.dma_semaphore, #tpu.memory_space<semaphore_mem>>)
      %dma_wait3A_344 = arith.constant 0 : i32
      %dma_wait3A_345 = arith.constant 0 : i32
      %dma_wait3A_346 = arith.constant 0 : i32
      %dma_wait3A_347 = tpu.memref_slice %arg6[%dma_wait3A_344, %dma_wait3A_345, %dma_wait3A_346] : memref<4x128x128xf32, #tpu.memory_space<vmem>> -> memref<1x128x128xf32, #tpu.memory_space<vmem>>
      %dma_wait3A_348 = tpu.memref_squeeze %dma_wait3A_347 : memref<1x128x128xf32, #tpu.memory_space<vmem>> -> memref<128x128xf32, #tpu.memory_space<vmem>>
      %dma_wait3A_349 = arith.constant 0 : i32
      %dma_wait3A_350 = tpu.memref_slice %arg4[%mul3A_2, %dma_wait3A_349] : memref<819200x128xf32, #tpu.memory_space<hbm>> -> memref<128x128xf32, #tpu.memory_space<hbm>>
      %dma_wait3A_351 = arith.constant 0 : i32
      %dma_wait3A_352 = tpu.memref_slice %arg4[%mul3A_2, %dma_wait3A_351] : memref<819200x128xf32, #tpu.memory_space<hbm>> -> memref<128x128xf32, #tpu.memory_space<hbm>>
      %dma_wait3A_353 = arith.constant 0 : i32
      %dma_wait3A_354 = arith.constant 0 : i32
      %dma_wait3A_355 = tpu.memref_slice %arg6[%dma_wait3A_344, %dma_wait3A_353, %dma_wait3A_354] : memref<4x128x128xf32, #tpu.memory_space<vmem>> -> memref<1x128x128xf32, #tpu.memory_space<vmem>>
      %dma_wait3A_356 = tpu.memref_squeeze %dma_wait3A_355 : memref<1x128x128xf32, #tpu.memory_space<vmem>> -> memref<128x128xf32, #tpu.memory_space<vmem>>
      tpu.wait_dma2 semaphore(%arg10 : memref<!tpu.dma_semaphore, #tpu.memory_space<semaphore_mem>>) src(%dma_wait3A_356 : memref<128x128xf32, #tpu.memory_space<vmem>>) dst(%dma_wait3A_352 : memref<128x128xf32, #tpu.memory_space<hbm>>)
      %dma_wait3A_357 = arith.constant 1 : i32
      %dma_wait3A_358 = arith.constant 0 : i32
      %dma_wait3A_359 = arith.constant 0 : i32
      %dma_wait3A_360 = tpu.memref_slice %arg6[%dma_wait3A_357, %dma_wait3A_358, %dma_wait3A_359] : memref<4x128x128xf32, #tpu.memory_space<vmem>> -> memref<1x128x128xf32, #tpu.memory_space<vmem>>
      %dma_wait3A_361 = tpu.memref_squeeze %dma_wait3A_360 : memref<1x128x128xf32, #tpu.memory_space<vmem>> -> memref<128x128xf32, #tpu.memory_space<vmem>>
      %dma_wait3A_362 = arith.constant 0 : i32
      %dma_wait3A_363 = tpu.memref_slice %arg4[%mul3A_2, %dma_wait3A_362] : memref<819200x128xf32, #tpu.memory_space<hbm>> -> memref<128x128xf32, #tpu.memory_space<hbm>>
      %dma_wait3A_364 = arith.constant 0 : i32
      %dma_wait3A_365 = tpu.memref_slice %arg4[%mul3A_2, %dma_wait3A_364] : memref<819200x128xf32, #tpu.memory_space<hbm>> -> memref<128x128xf32, #tpu.memory_space<hbm>>
      %dma_wait3A_366 = arith.constant 0 : i32
      %dma_wait3A_367 = arith.constant 0 : i32
      %dma_wait3A_368 = tpu.memref_slice %arg6[%dma_wait3A_357, %dma_wait3A_366, %dma_wait3A_367] : memref<4x128x128xf32, #tpu.memory_space<vmem>> -> memref<1x128x128xf32, #tpu.memory_space<vmem>>
      %dma_wait3A_369 = tpu.memref_squeeze %dma_wait3A_368 : memref<1x128x128xf32, #tpu.memory_space<vmem>> -> memref<128x128xf32, #tpu.memory_space<vmem>>
      tpu.wait_dma2 semaphore(%arg10 : memref<!tpu.dma_semaphore, #tpu.memory_space<semaphore_mem>>) src(%dma_wait3A_369 : memref<128x128xf32, #tpu.memory_space<vmem>>) dst(%dma_wait3A_365 : memref<128x128xf32, #tpu.memory_space<hbm>>)
      %add3A_370 = arith.constant 4 : i32
      %add3A_371 = arith.addi %mul3A_219, %add3A_370 : i32
      %add3A_372 = arith.constant 0 : i32
      %add3A_373 = arith.addi %add3A_371, %add3A_372 : i32
      %dma_start3A_374 = arith.constant 0 : i32
      %dma_start3A_375 = arith.constant 0 : i32
      %dma_start3A_376 = arith.constant 0 : i32
      %dma_start3A_377 = tpu.memref_slice %arg6[%dma_start3A_374, %dma_start3A_375, %dma_start3A_376] : memref<4x128x128xf32, #tpu.memory_space<vmem>> -> memref<1x128x128xf32, #tpu.memory_space<vmem>>
      %dma_start3A_378 = tpu.memref_squeeze %dma_start3A_377 : memref<1x128x128xf32, #tpu.memory_space<vmem>> -> memref<128x128xf32, #tpu.memory_space<vmem>>
      %dma_start3A_379 = arith.constant 0 : i32
      %dma_start3A_380 = tpu.memref_slice %arg5[%add3A_373, %dma_start3A_379] : memref<200x128xi32, #tpu.memory_space<vmem>> -> memref<1x128xi32, #tpu.memory_space<vmem>>
      %dma_start3A_381 = tpu.memref_squeeze %dma_start3A_380 : memref<1x128xi32, #tpu.memory_space<vmem>> -> memref<128xi32, #tpu.memory_space<vmem>>
      %dma_start3A_382 = arith.constant 0 : i32
      %dma_start3A_383 = arith.constant 0 : i32
      %dma_start3A_384 = tpu.memref_slice %arg7[%dma_start3A_382, %dma_start3A_383] : memref<200x128xf32, #tpu.memory_space<vmem_shared>> -> memref<200x128xf32, #tpu.memory_space<vmem_shared>>
      tpu.enqueue_indirect_dma source(%dma_start3A_384 : memref<200x128xf32, #tpu.memory_space<vmem_shared>>) target(%dma_start3A_378 : memref<128x128xf32, #tpu.memory_space<vmem>>) offsets(%dma_start3A_381 : memref<128xi32, #tpu.memory_space<vmem>>) semaphore(%arg8 : memref<!tpu.dma_semaphore, #tpu.memory_space<semaphore_mem>>)
      %add3A_385 = arith.constant 4 : i32
      %add3A_386 = arith.addi %mul3A_219, %add3A_385 : i32
      %add3A_387 = arith.constant 1 : i32
      %add3A_388 = arith.addi %add3A_386, %add3A_387 : i32
      %dma_start3A_389 = arith.constant 1 : i32
      %dma_start3A_390 = arith.constant 0 : i32
      %dma_start3A_391 = arith.constant 0 : i32
      %dma_start3A_392 = tpu.memref_slice %arg6[%dma_start3A_389, %dma_start3A_390, %dma_start3A_391] : memref<4x128x128xf32, #tpu.memory_space<vmem>> -> memref<1x128x128xf32, #tpu.memory_space<vmem>>
      %dma_start3A_393 = tpu.memref_squeeze %dma_start3A_392 : memref<1x128x128xf32, #tpu.memory_space<vmem>> -> memref<128x128xf32, #tpu.memory_space<vmem>>
      %dma_start3A_394 = arith.constant 0 : i32
      %dma_start3A_395 = tpu.memref_slice %arg5[%add3A_388, %dma_start3A_394] : memref<200x128xi32, #tpu.memory_space<vmem>> -> memref<1x128xi32, #tpu.memory_space<vmem>>
      %dma_start3A_396 = tpu.memref_squeeze %dma_start3A_395 : memref<1x128xi32, #tpu.memory_space<vmem>> -> memref<128xi32, #tpu.memory_space<vmem>>
      %dma_start3A_397 = arith.constant 0 : i32
      %dma_start3A_398 = arith.constant 0 : i32
      %dma_start3A_399 = tpu.memref_slice %arg7[%dma_start3A_397, %dma_start3A_398] : memref<200x128xf32, #tpu.memory_space<vmem_shared>> -> memref<200x128xf32, #tpu.memory_space<vmem_shared>>
      tpu.enqueue_indirect_dma source(%dma_start3A_399 : memref<200x128xf32, #tpu.memory_space<vmem_shared>>) target(%dma_start3A_393 : memref<128x128xf32, #tpu.memory_space<vmem>>) offsets(%dma_start3A_396 : memref<128xi32, #tpu.memory_space<vmem>>) semaphore(%arg8 : memref<!tpu.dma_semaphore, #tpu.memory_space<semaphore_mem>>)
      %dma_wait3A_400 = arith.constant 2 : i32
      %dma_wait3A_401 = arith.constant 0 : i32
      %dma_wait3A_402 = arith.constant 0 : i32
      %dma_wait3A_403 = tpu.memref_slice %arg6[%dma_wait3A_400, %dma_wait3A_401, %dma_wait3A_402] : memref<4x128x128xf32, #tpu.memory_space<vmem>> -> memref<1x128x128xf32, #tpu.memory_space<vmem>>
      %dma_wait3A_404 = tpu.memref_squeeze %dma_wait3A_403 : memref<1x128x128xf32, #tpu.memory_space<vmem>> -> memref<128x128xf32, #tpu.memory_space<vmem>>
      %dma_wait3A_405 = arith.constant 0 : i32
      %dma_wait3A_406 = tpu.memref_slice %arg4[%mul3A_2, %dma_wait3A_405] : memref<819200x128xf32, #tpu.memory_space<hbm>> -> memref<128x128xf32, #tpu.memory_space<hbm>>
      %dma_wait3A_407 = arith.constant 0 : i32
      %dma_wait3A_408 = tpu.memref_slice %arg4[%mul3A_2, %dma_wait3A_407] : memref<819200x128xf32, #tpu.memory_space<hbm>> -> memref<128x128xf32, #tpu.memory_space<hbm>>
      %dma_wait3A_409 = arith.constant 0 : i32
      %dma_wait3A_410 = arith.constant 0 : i32
      %dma_wait3A_411 = tpu.memref_slice %arg6[%dma_wait3A_400, %dma_wait3A_409, %dma_wait3A_410] : memref<4x128x128xf32, #tpu.memory_space<vmem>> -> memref<1x128x128xf32, #tpu.memory_space<vmem>>
      %dma_wait3A_412 = tpu.memref_squeeze %dma_wait3A_411 : memref<1x128x128xf32, #tpu.memory_space<vmem>> -> memref<128x128xf32, #tpu.memory_space<vmem>>
      tpu.wait_dma2 semaphore(%arg11 : memref<!tpu.dma_semaphore, #tpu.memory_space<semaphore_mem>>) src(%dma_wait3A_412 : memref<128x128xf32, #tpu.memory_space<vmem>>) dst(%dma_wait3A_408 : memref<128x128xf32, #tpu.memory_space<hbm>>)
      %dma_wait3A_413 = arith.constant 3 : i32
      %dma_wait3A_414 = arith.constant 0 : i32
      %dma_wait3A_415 = arith.constant 0 : i32
      %dma_wait3A_416 = tpu.memref_slice %arg6[%dma_wait3A_413, %dma_wait3A_414, %dma_wait3A_415] : memref<4x128x128xf32, #tpu.memory_space<vmem>> -> memref<1x128x128xf32, #tpu.memory_space<vmem>>
      %dma_wait3A_417 = tpu.memref_squeeze %dma_wait3A_416 : memref<1x128x128xf32, #tpu.memory_space<vmem>> -> memref<128x128xf32, #tpu.memory_space<vmem>>
      %dma_wait3A_418 = arith.constant 0 : i32
      %dma_wait3A_419 = tpu.memref_slice %arg4[%mul3A_2, %dma_wait3A_418] : memref<819200x128xf32, #tpu.memory_space<hbm>> -> memref<128x128xf32, #tpu.memory_space<hbm>>
      %dma_wait3A_420 = arith.constant 0 : i32
      %dma_wait3A_421 = tpu.memref_slice %arg4[%mul3A_2, %dma_wait3A_420] : memref<819200x128xf32, #tpu.memory_space<hbm>> -> memref<128x128xf32, #tpu.memory_space<hbm>>
      %dma_wait3A_422 = arith.constant 0 : i32
      %dma_wait3A_423 = arith.constant 0 : i32
      %dma_wait3A_424 = tpu.memref_slice %arg6[%dma_wait3A_413, %dma_wait3A_422, %dma_wait3A_423] : memref<4x128x128xf32, #tpu.memory_space<vmem>> -> memref<1x128x128xf32, #tpu.memory_space<vmem>>
      %dma_wait3A_425 = tpu.memref_squeeze %dma_wait3A_424 : memref<1x128x128xf32, #tpu.memory_space<vmem>> -> memref<128x128xf32, #tpu.memory_space<vmem>>
      tpu.wait_dma2 semaphore(%arg11 : memref<!tpu.dma_semaphore, #tpu.memory_space<semaphore_mem>>) src(%dma_wait3A_425 : memref<128x128xf32, #tpu.memory_space<vmem>>) dst(%dma_wait3A_421 : memref<128x128xf32, #tpu.memory_space<hbm>>)
      %add3A_426 = arith.constant 6 : i32
      %add3A_427 = arith.addi %mul3A_219, %add3A_426 : i32
      %add3A_428 = arith.constant 0 : i32
      %add3A_429 = arith.addi %add3A_427, %add3A_428 : i32
      %dma_start3A_430 = arith.constant 2 : i32
      %dma_start3A_431 = arith.constant 0 : i32
      %dma_start3A_432 = arith.constant 0 : i32
      %dma_start3A_433 = tpu.memref_slice %arg6[%dma_start3A_430, %dma_start3A_431, %dma_start3A_432] : memref<4x128x128xf32, #tpu.memory_space<vmem>> -> memref<1x128x128xf32, #tpu.memory_space<vmem>>
      %dma_start3A_434 = tpu.memref_squeeze %dma_start3A_433 : memref<1x128x128xf32, #tpu.memory_space<vmem>> -> memref<128x128xf32, #tpu.memory_space<vmem>>
      %dma_start3A_435 = arith.constant 0 : i32
      %dma_start3A_436 = tpu.memref_slice %arg5[%add3A_429, %dma_start3A_435] : memref<200x128xi32, #tpu.memory_space<vmem>> -> memref<1x128xi32, #tpu.memory_space<vmem>>
      %dma_start3A_437 = tpu.memref_squeeze %dma_start3A_436 : memref<1x128xi32, #tpu.memory_space<vmem>> -> memref<128xi32, #tpu.memory_space<vmem>>
      %dma_start3A_438 = arith.constant 0 : i32
      %dma_start3A_439 = arith.constant 0 : i32
      %dma_start3A_440 = tpu.memref_slice %arg7[%dma_start3A_438, %dma_start3A_439] : memref<200x128xf32, #tpu.memory_space<vmem_shared>> -> memref<200x128xf32, #tpu.memory_space<vmem_shared>>
      tpu.enqueue_indirect_dma source(%dma_start3A_440 : memref<200x128xf32, #tpu.memory_space<vmem_shared>>) target(%dma_start3A_434 : memref<128x128xf32, #tpu.memory_space<vmem>>) offsets(%dma_start3A_437 : memref<128xi32, #tpu.memory_space<vmem>>) semaphore(%arg9 : memref<!tpu.dma_semaphore, #tpu.memory_space<semaphore_mem>>)
      %add3A_441 = arith.constant 6 : i32
      %add3A_442 = arith.addi %mul3A_219, %add3A_441 : i32
      %add3A_443 = arith.constant 1 : i32
      %add3A_444 = arith.addi %add3A_442, %add3A_443 : i32
      %dma_start3A_445 = arith.constant 3 : i32
      %dma_start3A_446 = arith.constant 0 : i32
      %dma_start3A_447 = arith.constant 0 : i32
      %dma_start3A_448 = tpu.memref_slice %arg6[%dma_start3A_445, %dma_start3A_446, %dma_start3A_447] : memref<4x128x128xf32, #tpu.memory_space<vmem>> -> memref<1x128x128xf32, #tpu.memory_space<vmem>>
      %dma_start3A_449 = tpu.memref_squeeze %dma_start3A_448 : memref<1x128x128xf32, #tpu.memory_space<vmem>> -> memref<128x128xf32, #tpu.memory_space<vmem>>
      %dma_start3A_450 = arith.constant 0 : i32
      %dma_start3A_451 = tpu.memref_slice %arg5[%add3A_444, %dma_start3A_450] : memref<200x128xi32, #tpu.memory_space<vmem>> -> memref<1x128xi32, #tpu.memory_space<vmem>>
      %dma_start3A_452 = tpu.memref_squeeze %dma_start3A_451 : memref<1x128xi32, #tpu.memory_space<vmem>> -> memref<128xi32, #tpu.memory_space<vmem>>
      %dma_start3A_453 = arith.constant 0 : i32
      %dma_start3A_454 = arith.constant 0 : i32
      %dma_start3A_455 = tpu.memref_slice %arg7[%dma_start3A_453, %dma_start3A_454] : memref<200x128xf32, #tpu.memory_space<vmem_shared>> -> memref<200x128xf32, #tpu.memory_space<vmem_shared>>
      tpu.enqueue_indirect_dma source(%dma_start3A_455 : memref<200x128xf32, #tpu.memory_space<vmem_shared>>) target(%dma_start3A_449 : memref<128x128xf32, #tpu.memory_space<vmem>>) offsets(%dma_start3A_452 : memref<128xi32, #tpu.memory_space<vmem>>) semaphore(%arg9 : memref<!tpu.dma_semaphore, #tpu.memory_space<semaphore_mem>>)
    }
    %scan3A_55 = arith.constant 49 : i32
    %dma_wait3A = arith.constant 0 : i32
    %dma_wait3A_56 = arith.constant 0 : i32
    %dma_wait3A_57 = arith.constant 0 : i32
    %dma_wait3A_58 = arith.constant 0 : i32
    %dma_wait3A_59 = tpu.memref_slice %arg6[%dma_wait3A_56, %dma_wait3A_57, %dma_wait3A_58] : memref<4x128x128xf32, #tpu.memory_space<vmem>> -> memref<1x128x128xf32, #tpu.memory_space<vmem>>
    %dma_wait3A_60 = tpu.memref_squeeze %dma_wait3A_59 : memref<1x128x128xf32, #tpu.memory_space<vmem>> -> memref<128x128xf32, #tpu.memory_space<vmem>>
    %dma_wait3A_61 = arith.constant 0 : i32
    %dma_wait3A_62 = tpu.memref_slice %arg5[%dma_wait3A, %dma_wait3A_61] : memref<200x128xi32, #tpu.memory_space<vmem>> -> memref<1x128xi32, #tpu.memory_space<vmem>>
    %dma_wait3A_63 = tpu.memref_squeeze %dma_wait3A_62 : memref<1x128xi32, #tpu.memory_space<vmem>> -> memref<128xi32, #tpu.memory_space<vmem>>
    %dma_wait3A_64 = arith.constant 0 : i32
    %dma_wait3A_65 = arith.constant 0 : i32
    %dma_wait3A_66 = tpu.memref_slice %arg7[%dma_wait3A_64, %dma_wait3A_65] : memref<200x128xf32, #tpu.memory_space<vmem_shared>> -> memref<200x128xf32, #tpu.memory_space<vmem_shared>>
    tpu.wait_indirect_dma semaphore(%arg8 : memref<!tpu.dma_semaphore, #tpu.memory_space<semaphore_mem>>) src(%dma_wait3A_66 : memref<200x128xf32, #tpu.memory_space<vmem_shared>>) dst(%dma_wait3A_60 : memref<128x128xf32, #tpu.memory_space<vmem>>)
    %dma_wait3A_67 = arith.constant 0 : i32
    %dma_wait3A_68 = arith.constant 1 : i32
    %dma_wait3A_69 = arith.constant 0 : i32
    %dma_wait3A_70 = arith.constant 0 : i32
    %dma_wait3A_71 = tpu.memref_slice %arg6[%dma_wait3A_68, %dma_wait3A_69, %dma_wait3A_70] : memref<4x128x128xf32, #tpu.memory_space<vmem>> -> memref<1x128x128xf32, #tpu.memory_space<vmem>>
    %dma_wait3A_72 = tpu.memref_squeeze %dma_wait3A_71 : memref<1x128x128xf32, #tpu.memory_space<vmem>> -> memref<128x128xf32, #tpu.memory_space<vmem>>
    %dma_wait3A_73 = arith.constant 0 : i32
    %dma_wait3A_74 = tpu.memref_slice %arg5[%dma_wait3A_67, %dma_wait3A_73] : memref<200x128xi32, #tpu.memory_space<vmem>> -> memref<1x128xi32, #tpu.memory_space<vmem>>
    %dma_wait3A_75 = tpu.memref_squeeze %dma_wait3A_74 : memref<1x128xi32, #tpu.memory_space<vmem>> -> memref<128xi32, #tpu.memory_space<vmem>>
    %dma_wait3A_76 = arith.constant 0 : i32
    %dma_wait3A_77 = arith.constant 0 : i32
    %dma_wait3A_78 = tpu.memref_slice %arg7[%dma_wait3A_76, %dma_wait3A_77] : memref<200x128xf32, #tpu.memory_space<vmem_shared>> -> memref<200x128xf32, #tpu.memory_space<vmem_shared>>
    tpu.wait_indirect_dma semaphore(%arg8 : memref<!tpu.dma_semaphore, #tpu.memory_space<semaphore_mem>>) src(%dma_wait3A_78 : memref<200x128xf32, #tpu.memory_space<vmem_shared>>) dst(%dma_wait3A_72 : memref<128x128xf32, #tpu.memory_space<vmem>>)
    %add3A_79 = arith.constant 25088 : i32
    %add3A_80 = arith.addi %mul3A_2, %add3A_79 : i32
    %dma_start3A_81 = arith.constant 0 : i32
    %dma_start3A_82 = arith.constant 0 : i32
    %dma_start3A_83 = arith.constant 0 : i32
    %dma_start3A_84 = tpu.memref_slice %arg6[%dma_start3A_81, %dma_start3A_82, %dma_start3A_83] : memref<4x128x128xf32, #tpu.memory_space<vmem>> -> memref<1x128x128xf32, #tpu.memory_space<vmem>>
    %dma_start3A_85 = tpu.memref_squeeze %dma_start3A_84 : memref<1x128x128xf32, #tpu.memory_space<vmem>> -> memref<128x128xf32, #tpu.memory_space<vmem>>
    %dma_start3A_86 = arith.constant 0 : i32
    %dma_start3A_87 = tpu.memref_slice %arg4[%add3A_80, %dma_start3A_86] : memref<819200x128xf32, #tpu.memory_space<hbm>> -> memref<128x128xf32, #tpu.memory_space<hbm>>
    %dma_start3A_88 = arith.constant 0 : i32
    %dma_start3A_89 = tpu.memref_slice %arg4[%add3A_80, %dma_start3A_88] : memref<819200x128xf32, #tpu.memory_space<hbm>> -> memref<128x128xf32, #tpu.memory_space<hbm>>
    %dma_start3A_90 = arith.constant 0 : i32
    %dma_start3A_91 = arith.constant 0 : i32
    %dma_start3A_92 = tpu.memref_slice %arg6[%dma_start3A_81, %dma_start3A_90, %dma_start3A_91] : memref<4x128x128xf32, #tpu.memory_space<vmem>> -> memref<1x128x128xf32, #tpu.memory_space<vmem>>
    %dma_start3A_93 = tpu.memref_squeeze %dma_start3A_92 : memref<1x128x128xf32, #tpu.memory_space<vmem>> -> memref<128x128xf32, #tpu.memory_space<vmem>>
    tpu.enqueue_dma source(%dma_start3A_93 : memref<128x128xf32, #tpu.memory_space<vmem>>) target(%dma_start3A_89 : memref<128x128xf32, #tpu.memory_space<hbm>>) target_semaphore(%arg10 : memref<!tpu.dma_semaphore, #tpu.memory_space<semaphore_mem>>)
    %add3A_94 = arith.constant 25216 : i32
    %add3A_95 = arith.addi %mul3A_2, %add3A_94 : i32
    %dma_start3A_96 = arith.constant 1 : i32
    %dma_start3A_97 = arith.constant 0 : i32
    %dma_start3A_98 = arith.constant 0 : i32
    %dma_start3A_99 = tpu.memref_slice %arg6[%dma_start3A_96, %dma_start3A_97, %dma_start3A_98] : memref<4x128x128xf32, #tpu.memory_space<vmem>> -> memref<1x128x128xf32, #tpu.memory_space<vmem>>
    %dma_start3A_100 = tpu.memref_squeeze %dma_start3A_99 : memref<1x128x128xf32, #tpu.memory_space<vmem>> -> memref<128x128xf32, #tpu.memory_space<vmem>>
    %dma_start3A_101 = arith.constant 0 : i32
    %dma_start3A_102 = tpu.memref_slice %arg4[%add3A_95, %dma_start3A_101] : memref<819200x128xf32, #tpu.memory_space<hbm>> -> memref<128x128xf32, #tpu.memory_space<hbm>>
    %dma_start3A_103 = arith.constant 0 : i32
    %dma_start3A_104 = tpu.memref_slice %arg4[%add3A_95, %dma_start3A_103] : memref<819200x128xf32, #tpu.memory_space<hbm>> -> memref<128x128xf32, #tpu.memory_space<hbm>>
    %dma_start3A_105 = arith.constant 0 : i32
    %dma_start3A_106 = arith.constant 0 : i32
    %dma_start3A_107 = tpu.memref_slice %arg6[%dma_start3A_96, %dma_start3A_105, %dma_start3A_106] : memref<4x128x128xf32, #tpu.memory_space<vmem>> -> memref<1x128x128xf32, #tpu.memory_space<vmem>>
    %dma_start3A_108 = tpu.memref_squeeze %dma_start3A_107 : memref<1x128x128xf32, #tpu.memory_space<vmem>> -> memref<128x128xf32, #tpu.memory_space<vmem>>
    tpu.enqueue_dma source(%dma_start3A_108 : memref<128x128xf32, #tpu.memory_space<vmem>>) target(%dma_start3A_104 : memref<128x128xf32, #tpu.memory_space<hbm>>) target_semaphore(%arg10 : memref<!tpu.dma_semaphore, #tpu.memory_space<semaphore_mem>>)
    %dma_wait3A_109 = arith.constant 0 : i32
    %dma_wait3A_110 = arith.constant 2 : i32
    %dma_wait3A_111 = arith.constant 0 : i32
    %dma_wait3A_112 = arith.constant 0 : i32
    %dma_wait3A_113 = tpu.memref_slice %arg6[%dma_wait3A_110, %dma_wait3A_111, %dma_wait3A_112] : memref<4x128x128xf32, #tpu.memory_space<vmem>> -> memref<1x128x128xf32, #tpu.memory_space<vmem>>
    %dma_wait3A_114 = tpu.memref_squeeze %dma_wait3A_113 : memref<1x128x128xf32, #tpu.memory_space<vmem>> -> memref<128x128xf32, #tpu.memory_space<vmem>>
    %dma_wait3A_115 = arith.constant 0 : i32
    %dma_wait3A_116 = tpu.memref_slice %arg5[%dma_wait3A_109, %dma_wait3A_115] : memref<200x128xi32, #tpu.memory_space<vmem>> -> memref<1x128xi32, #tpu.memory_space<vmem>>
    %dma_wait3A_117 = tpu.memref_squeeze %dma_wait3A_116 : memref<1x128xi32, #tpu.memory_space<vmem>> -> memref<128xi32, #tpu.memory_space<vmem>>
    %dma_wait3A_118 = arith.constant 0 : i32
    %dma_wait3A_119 = arith.constant 0 : i32
    %dma_wait3A_120 = tpu.memref_slice %arg7[%dma_wait3A_118, %dma_wait3A_119] : memref<200x128xf32, #tpu.memory_space<vmem_shared>> -> memref<200x128xf32, #tpu.memory_space<vmem_shared>>
    tpu.wait_indirect_dma semaphore(%arg9 : memref<!tpu.dma_semaphore, #tpu.memory_space<semaphore_mem>>) src(%dma_wait3A_120 : memref<200x128xf32, #tpu.memory_space<vmem_shared>>) dst(%dma_wait3A_114 : memref<128x128xf32, #tpu.memory_space<vmem>>)
    %dma_wait3A_121 = arith.constant 0 : i32
    %dma_wait3A_122 = arith.constant 3 : i32
    %dma_wait3A_123 = arith.constant 0 : i32
    %dma_wait3A_124 = arith.constant 0 : i32
    %dma_wait3A_125 = tpu.memref_slice %arg6[%dma_wait3A_122, %dma_wait3A_123, %dma_wait3A_124] : memref<4x128x128xf32, #tpu.memory_space<vmem>> -> memref<1x128x128xf32, #tpu.memory_space<vmem>>
    %dma_wait3A_126 = tpu.memref_squeeze %dma_wait3A_125 : memref<1x128x128xf32, #tpu.memory_space<vmem>> -> memref<128x128xf32, #tpu.memory_space<vmem>>
    %dma_wait3A_127 = arith.constant 0 : i32
    %dma_wait3A_128 = tpu.memref_slice %arg5[%dma_wait3A_121, %dma_wait3A_127] : memref<200x128xi32, #tpu.memory_space<vmem>> -> memref<1x128xi32, #tpu.memory_space<vmem>>
    %dma_wait3A_129 = tpu.memref_squeeze %dma_wait3A_128 : memref<1x128xi32, #tpu.memory_space<vmem>> -> memref<128xi32, #tpu.memory_space<vmem>>
    %dma_wait3A_130 = arith.constant 0 : i32
    %dma_wait3A_131 = arith.constant 0 : i32
    %dma_wait3A_132 = tpu.memref_slice %arg7[%dma_wait3A_130, %dma_wait3A_131] : memref<200x128xf32, #tpu.memory_space<vmem_shared>> -> memref<200x128xf32, #tpu.memory_space<vmem_shared>>
    tpu.wait_indirect_dma semaphore(%arg9 : memref<!tpu.dma_semaphore, #tpu.memory_space<semaphore_mem>>) src(%dma_wait3A_132 : memref<200x128xf32, #tpu.memory_space<vmem_shared>>) dst(%dma_wait3A_126 : memref<128x128xf32, #tpu.memory_space<vmem>>)
    %add3A_133 = arith.constant 25344 : i32
    %add3A_134 = arith.addi %mul3A_2, %add3A_133 : i32
    %dma_start3A_135 = arith.constant 2 : i32
    %dma_start3A_136 = arith.constant 0 : i32
    %dma_start3A_137 = arith.constant 0 : i32
    %dma_start3A_138 = tpu.memref_slice %arg6[%dma_start3A_135, %dma_start3A_136, %dma_start3A_137] : memref<4x128x128xf32, #tpu.memory_space<vmem>> -> memref<1x128x128xf32, #tpu.memory_space<vmem>>
    %dma_start3A_139 = tpu.memref_squeeze %dma_start3A_138 : memref<1x128x128xf32, #tpu.memory_space<vmem>> -> memref<128x128xf32, #tpu.memory_space<vmem>>
    %dma_start3A_140 = arith.constant 0 : i32
    %dma_start3A_141 = tpu.memref_slice %arg4[%add3A_134, %dma_start3A_140] : memref<819200x128xf32, #tpu.memory_space<hbm>> -> memref<128x128xf32, #tpu.memory_space<hbm>>
    %dma_start3A_142 = arith.constant 0 : i32
    %dma_start3A_143 = tpu.memref_slice %arg4[%add3A_134, %dma_start3A_142] : memref<819200x128xf32, #tpu.memory_space<hbm>> -> memref<128x128xf32, #tpu.memory_space<hbm>>
    %dma_start3A_144 = arith.constant 0 : i32
    %dma_start3A_145 = arith.constant 0 : i32
    %dma_start3A_146 = tpu.memref_slice %arg6[%dma_start3A_135, %dma_start3A_144, %dma_start3A_145] : memref<4x128x128xf32, #tpu.memory_space<vmem>> -> memref<1x128x128xf32, #tpu.memory_space<vmem>>
    %dma_start3A_147 = tpu.memref_squeeze %dma_start3A_146 : memref<1x128x128xf32, #tpu.memory_space<vmem>> -> memref<128x128xf32, #tpu.memory_space<vmem>>
    tpu.enqueue_dma source(%dma_start3A_147 : memref<128x128xf32, #tpu.memory_space<vmem>>) target(%dma_start3A_143 : memref<128x128xf32, #tpu.memory_space<hbm>>) target_semaphore(%arg11 : memref<!tpu.dma_semaphore, #tpu.memory_space<semaphore_mem>>)
    %add3A_148 = arith.constant 25472 : i32
    %add3A_149 = arith.addi %mul3A_2, %add3A_148 : i32
    %dma_start3A_150 = arith.constant 3 : i32
    %dma_start3A_151 = arith.constant 0 : i32
    %dma_start3A_152 = arith.constant 0 : i32
    %dma_start3A_153 = tpu.memref_slice %arg6[%dma_start3A_150, %dma_start3A_151, %dma_start3A_152] : memref<4x128x128xf32, #tpu.memory_space<vmem>> -> memref<1x128x128xf32, #tpu.memory_space<vmem>>
    %dma_start3A_154 = tpu.memref_squeeze %dma_start3A_153 : memref<1x128x128xf32, #tpu.memory_space<vmem>> -> memref<128x128xf32, #tpu.memory_space<vmem>>
    %dma_start3A_155 = arith.constant 0 : i32
    %dma_start3A_156 = tpu.memref_slice %arg4[%add3A_149, %dma_start3A_155] : memref<819200x128xf32, #tpu.memory_space<hbm>> -> memref<128x128xf32, #tpu.memory_space<hbm>>
    %dma_start3A_157 = arith.constant 0 : i32
    %dma_start3A_158 = tpu.memref_slice %arg4[%add3A_149, %dma_start3A_157] : memref<819200x128xf32, #tpu.memory_space<hbm>> -> memref<128x128xf32, #tpu.memory_space<hbm>>
    %dma_start3A_159 = arith.constant 0 : i32
    %dma_start3A_160 = arith.constant 0 : i32
    %dma_start3A_161 = tpu.memref_slice %arg6[%dma_start3A_150, %dma_start3A_159, %dma_start3A_160] : memref<4x128x128xf32, #tpu.memory_space<vmem>> -> memref<1x128x128xf32, #tpu.memory_space<vmem>>
    %dma_start3A_162 = tpu.memref_squeeze %dma_start3A_161 : memref<1x128x128xf32, #tpu.memory_space<vmem>> -> memref<128x128xf32, #tpu.memory_space<vmem>>
    tpu.enqueue_dma source(%dma_start3A_162 : memref<128x128xf32, #tpu.memory_space<vmem>>) target(%dma_start3A_158 : memref<128x128xf32, #tpu.memory_space<hbm>>) target_semaphore(%arg11 : memref<!tpu.dma_semaphore, #tpu.memory_space<semaphore_mem>>)
    %dma_wait3A_163 = arith.constant 0 : i32
    %dma_wait3A_164 = arith.constant 0 : i32
    %dma_wait3A_165 = arith.constant 0 : i32
    %dma_wait3A_166 = tpu.memref_slice %arg6[%dma_wait3A_163, %dma_wait3A_164, %dma_wait3A_165] : memref<4x128x128xf32, #tpu.memory_space<vmem>> -> memref<1x128x128xf32, #tpu.memory_space<vmem>>
    %dma_wait3A_167 = tpu.memref_squeeze %dma_wait3A_166 : memref<1x128x128xf32, #tpu.memory_space<vmem>> -> memref<128x128xf32, #tpu.memory_space<vmem>>
    %dma_wait3A_168 = arith.constant 0 : i32
    %dma_wait3A_169 = tpu.memref_slice %arg4[%mul3A_2, %dma_wait3A_168] : memref<819200x128xf32, #tpu.memory_space<hbm>> -> memref<128x128xf32, #tpu.memory_space<hbm>>
    %dma_wait3A_170 = arith.constant 0 : i32
    %dma_wait3A_171 = tpu.memref_slice %arg4[%mul3A_2, %dma_wait3A_170] : memref<819200x128xf32, #tpu.memory_space<hbm>> -> memref<128x128xf32, #tpu.memory_space<hbm>>
    %dma_wait3A_172 = arith.constant 0 : i32
    %dma_wait3A_173 = arith.constant 0 : i32
    %dma_wait3A_174 = tpu.memref_slice %arg6[%dma_wait3A_163, %dma_wait3A_172, %dma_wait3A_173] : memref<4x128x128xf32, #tpu.memory_space<vmem>> -> memref<1x128x128xf32, #tpu.memory_space<vmem>>
    %dma_wait3A_175 = tpu.memref_squeeze %dma_wait3A_174 : memref<1x128x128xf32, #tpu.memory_space<vmem>> -> memref<128x128xf32, #tpu.memory_space<vmem>>
    tpu.wait_dma2 semaphore(%arg10 : memref<!tpu.dma_semaphore, #tpu.memory_space<semaphore_mem>>) src(%dma_wait3A_175 : memref<128x128xf32, #tpu.memory_space<vmem>>) dst(%dma_wait3A_171 : memref<128x128xf32, #tpu.memory_space<hbm>>)
    %dma_wait3A_176 = arith.constant 1 : i32
    %dma_wait3A_177 = arith.constant 0 : i32
    %dma_wait3A_178 = arith.constant 0 : i32
    %dma_wait3A_179 = tpu.memref_slice %arg6[%dma_wait3A_176, %dma_wait3A_177, %dma_wait3A_178] : memref<4x128x128xf32, #tpu.memory_space<vmem>> -> memref<1x128x128xf32, #tpu.memory_space<vmem>>
    %dma_wait3A_180 = tpu.memref_squeeze %dma_wait3A_179 : memref<1x128x128xf32, #tpu.memory_space<vmem>> -> memref<128x128xf32, #tpu.memory_space<vmem>>
    %dma_wait3A_181 = arith.constant 0 : i32
    %dma_wait3A_182 = tpu.memref_slice %arg4[%mul3A_2, %dma_wait3A_181] : memref<819200x128xf32, #tpu.memory_space<hbm>> -> memref<128x128xf32, #tpu.memory_space<hbm>>
    %dma_wait3A_183 = arith.constant 0 : i32
    %dma_wait3A_184 = tpu.memref_slice %arg4[%mul3A_2, %dma_wait3A_183] : memref<819200x128xf32, #tpu.memory_space<hbm>> -> memref<128x128xf32, #tpu.memory_space<hbm>>
    %dma_wait3A_185 = arith.constant 0 : i32
    %dma_wait3A_186 = arith.constant 0 : i32
    %dma_wait3A_187 = tpu.memref_slice %arg6[%dma_wait3A_176, %dma_wait3A_185, %dma_wait3A_186] : memref<4x128x128xf32, #tpu.memory_space<vmem>> -> memref<1x128x128xf32, #tpu.memory_space<vmem>>
    %dma_wait3A_188 = tpu.memref_squeeze %dma_wait3A_187 : memref<1x128x128xf32, #tpu.memory_space<vmem>> -> memref<128x128xf32, #tpu.memory_space<vmem>>
    tpu.wait_dma2 semaphore(%arg10 : memref<!tpu.dma_semaphore, #tpu.memory_space<semaphore_mem>>) src(%dma_wait3A_188 : memref<128x128xf32, #tpu.memory_space<vmem>>) dst(%dma_wait3A_184 : memref<128x128xf32, #tpu.memory_space<hbm>>)
    %dma_wait3A_189 = arith.constant 2 : i32
    %dma_wait3A_190 = arith.constant 0 : i32
    %dma_wait3A_191 = arith.constant 0 : i32
    %dma_wait3A_192 = tpu.memref_slice %arg6[%dma_wait3A_189, %dma_wait3A_190, %dma_wait3A_191] : memref<4x128x128xf32, #tpu.memory_space<vmem>> -> memref<1x128x128xf32, #tpu.memory_space<vmem>>
    %dma_wait3A_193 = tpu.memref_squeeze %dma_wait3A_192 : memref<1x128x128xf32, #tpu.memory_space<vmem>> -> memref<128x128xf32, #tpu.memory_space<vmem>>
    %dma_wait3A_194 = arith.constant 0 : i32
    %dma_wait3A_195 = tpu.memref_slice %arg4[%mul3A_2, %dma_wait3A_194] : memref<819200x128xf32, #tpu.memory_space<hbm>> -> memref<128x128xf32, #tpu.memory_space<hbm>>
    %dma_wait3A_196 = arith.constant 0 : i32
    %dma_wait3A_197 = tpu.memref_slice %arg4[%mul3A_2, %dma_wait3A_196] : memref<819200x128xf32, #tpu.memory_space<hbm>> -> memref<128x128xf32, #tpu.memory_space<hbm>>
    %dma_wait3A_198 = arith.constant 0 : i32
    %dma_wait3A_199 = arith.constant 0 : i32
    %dma_wait3A_200 = tpu.memref_slice %arg6[%dma_wait3A_189, %dma_wait3A_198, %dma_wait3A_199] : memref<4x128x128xf32, #tpu.memory_space<vmem>> -> memref<1x128x128xf32, #tpu.memory_space<vmem>>
    %dma_wait3A_201 = tpu.memref_squeeze %dma_wait3A_200 : memref<1x128x128xf32, #tpu.memory_space<vmem>> -> memref<128x128xf32, #tpu.memory_space<vmem>>
    tpu.wait_dma2 semaphore(%arg11 : memref<!tpu.dma_semaphore, #tpu.memory_space<semaphore_mem>>) src(%dma_wait3A_201 : memref<128x128xf32, #tpu.memory_space<vmem>>) dst(%dma_wait3A_197 : memref<128x128xf32, #tpu.memory_space<hbm>>)
    %dma_wait3A_202 = arith.constant 3 : i32
    %dma_wait3A_203 = arith.constant 0 : i32
    %dma_wait3A_204 = arith.constant 0 : i32
    %dma_wait3A_205 = tpu.memref_slice %arg6[%dma_wait3A_202, %dma_wait3A_203, %dma_wait3A_204] : memref<4x128x128xf32, #tpu.memory_space<vmem>> -> memref<1x128x128xf32, #tpu.memory_space<vmem>>
    %dma_wait3A_206 = tpu.memref_squeeze %dma_wait3A_205 : memref<1x128x128xf32, #tpu.memory_space<vmem>> -> memref<128x128xf32, #tpu.memory_space<vmem>>
    %dma_wait3A_207 = arith.constant 0 : i32
    %dma_wait3A_208 = tpu.memref_slice %arg4[%mul3A_2, %dma_wait3A_207] : memref<819200x128xf32, #tpu.memory_space<hbm>> -> memref<128x128xf32, #tpu.memory_space<hbm>>
    %dma_wait3A_209 = arith.constant 0 : i32
    %dma_wait3A_210 = tpu.memref_slice %arg4[%mul3A_2, %dma_wait3A_209] : memref<819200x128xf32, #tpu.memory_space<hbm>> -> memref<128x128xf32, #tpu.memory_space<hbm>>
    %dma_wait3A_211 = arith.constant 0 : i32
    %dma_wait3A_212 = arith.constant 0 : i32
    %dma_wait3A_213 = tpu.memref_slice %arg6[%dma_wait3A_202, %dma_wait3A_211, %dma_wait3A_212] : memref<4x128x128xf32, #tpu.memory_space<vmem>> -> memref<1x128x128xf32, #tpu.memory_space<vmem>>
    %dma_wait3A_214 = tpu.memref_squeeze %dma_wait3A_213 : memref<1x128x128xf32, #tpu.memory_space<vmem>> -> memref<128x128xf32, #tpu.memory_space<vmem>>
    tpu.wait_dma2 semaphore(%arg11 : memref<!tpu.dma_semaphore, #tpu.memory_space<semaphore_mem>>) src(%dma_wait3A_214 : memref<128x128xf32, #tpu.memory_space<vmem>>) dst(%dma_wait3A_210 : memref<128x128xf32, #tpu.memory_space<hbm>>)
    return
  }
}

</mosaic_0001>

<sc_bundles>
// kernel: kernel.3.cloned.1.call-start
scs
__scs_entry_jumppad:
0x0: {  	(pc) =	sbr.rel $0x88, $3  }
0x1: {  	(tag) =	ssettag $0x0;
	lr =	simm.s32 $0x1  }
0x2: {  	[smem:$0x3F9F] =	sst lr;
	_ =	strace $0xD0000000  }
0x3: {  	_ = 	snop  }
0x4: {  	_ = 	snop  }
0x5: {  	_ = 	snop  }
0x6: {  	_ = 	snop  }
0x7: {  	_ = 	snop  }
__scs_overlays_trampoline_lowered:
0x8: {  	[smem:$0x3FAE] =	sst s0  }
0x9: {  	[smem:$0x3FAF] =	sst s1  }
0xa: {  	[smem:$0x3FB0] =	sst s2  }
0xb: {  	[smem:$0x3FB1] =	sst s3  }
0xc: {  	[smem:$0x3FB2] =	sst s4  }
0xd: {  	[smem:$0x3FB3] =	sst s5  }
0xe: {  	[smem:$0x3FB4] =	sst s6  }
0xf: {  	[smem:$0x3FB5] =	sst s7  }
0x10: {  	[smem:$0x3FB6] =	sst s8  }
0x11: {  	[smem:$0x3FB7] =	sst s9;
	s0 =	simm.s32 @!p0 $0x0  }
0x12: {  	s1 =	sld [smem:$0x3F9D];
	s0 =	simm.s32 @p0 $0x1  }
0x13: {  	[smem:$0x3FB8] =	sst s0;
	s0 =	simm.s32 @!p1 $0x0  }
0x14: {  	s2 =	sld [smem:$0x3F9C];
	s0 =	simm.s32 @p1 $0x1  }
0x15: {  	[smem:$0x3FB9] =	sst s0;
	s0 =	simm.s32 @!p2 $0x0  }
0x16: {  	s3 =	sld [smem:$0x3FDB];
	s0 =	simm.s32 @p2 $0x1  }
0x17: {  	s4 =	simm.s32 $0x1BF5;
	[smem:$0x3FBB] =	sst s0  }
0x18: {  	s0 =	sld [smem:$0x3F9E];
	_ =	swait.ge [sflag:s4], $0x0  }
0x19: {  	s7 =	sld [smem:$0x3F9F]  }
0x1a: {  	s8 =	sadd.s32 $0xFFFFE003, lr  }
0x1b: {  	s9 =	sadd.s32 $0xFFFFFEF7, lr;
	s5 =	simm.s32 $0xFFFFFFFF;
	p2 =	slt.u32 s8, $0xFFFFF086  }
0x1c: {  	p1 =	slt.u32 s9, $0xF7A;
	s5 =	simm.s32 @!p2 $0x0  }
0x1d: {  	s5 =	simm.s32 @p1 $0x1;
	p0 =	seq.s32 s7, s2  }
0x1e: {  	s7 =	smul.u32 @!p0 $0xF7A, s2;
	p2 =	seq.s32 @!p0 s5, $0x0  }
0x1f: {  	s9 =	smul.u32 $0xF7A, s1;
	s8 =	simm.s32 @!p0 $0x1BF5;
	p2 =	por !p2, p0  }
0x20: {  	[sflag:s8] =	ssyncset.s32 @!p0 $0xFFFFF086;
	s6 =	sadd.s32 @!p0 s3, s7;
	s7 =	simm.s32 @!p0 $0x108  }
0x21: {  	s3 =	sadd.s32 s3, s9;
	s6 =	sadd.s32 @!p0 $0x88, s6;
	s7 =	simm.s32 @p2 $0x1082  }
0x22: {  	[simem:s7], [sflag:s8] =	dma.local @!p0 [hbm:s6], $0xF7A  }
0x23: {  	s9 =	sor.u32 $0xD0000000, s2;
	s6 =	simm.s32 $0x108;
	_ =	swait.ge @!p0 [sflag:s8], $0x0  }
0x24: {  	s3 =	sadd.s32 $0x88, s3;
	s6 =	simm.s32 @!p1 $0x1082;
	[sflag:s4] =	ssyncset.s32 $0xFFFFF086  }
0x25: {  	[simem:s6], [sflag:s4] =	dma.local [hbm:s3], $0xF7A  }
0x26: {  	[smem:$0x3F9F] =	sst s1;
	(tag) =	ssettag s2;
	_ =	strace s9  }
0x27: {  	s1 =	sld [smem:$0x3FAF]  }
0x28: {  	s2 =	sld [smem:$0x3FB0]  }
0x29: {  	s4 =	sld [smem:$0x3FB2]  }
0x2a: {  	p0 =	seq.s32 s5, $0x0;
	s5 =	sld [smem:$0x3FB3]  }
0x2b: {  	s6 =	sld [smem:$0x3FB4]  }
0x2c: {  	s7 =	sld [smem:$0x3FB5]  }
0x2d: {  	s3 =	simm.s32 $0x108;
	s8 =	sld [smem:$0x3FB6]  }
0x2e: {  	s3 =	simm.s32 @!p0 $0x1082;
	s9 =	sld [smem:$0x3FB7]  }
0x2f: {  	lr =	sadd.s32 s0, s3;
	s0 =	sld [smem:$0x3FAE]  }
0x30: {  	s3 =	sld [smem:$0x3FB1]  }
0x31: {  	[smem:$0x3FBA] =	sst s10  }
0x32: {  	s10 =	sld [smem:$0x3FB8];
	_ =	sdelay $0x3  }
0x33: {  	p0 =	seq.s32 s10, $0x1;
	s10 =	sld [smem:$0x3FBA];
	_ =	sdelay $0x3  }
0x34: {  	[smem:$0x3FBA] =	sst s10  }
0x35: {  	s10 =	sld [smem:$0x3FB9];
	_ =	sdelay $0x3  }
0x36: {  	p1 =	seq.s32 s10, $0x1;
	s10 =	sld [smem:$0x3FBA];
	_ =	sdelay $0x3  }
0x37: {  	[smem:$0x3FBA] =	sst s10  }
0x38: {  	s10 =	sld [smem:$0x3FBB]  }
0x39: {  	_ = 	snop;
	(pc) =	sbr.ind lr, $3  }
0x3a: {  	_ = 	snop  }
0x3b: {  	_ = 	snop  }
0x3c: {  	p2 =	seq.s32 s10, $0x1;
	s10 =	sld [smem:$0x3FBA]  }
0x3d: {  	_ =	shalt  }
0x3e: {  	_ =	shalt  }
0x3f: {  	_ =	shalt  }
0x40: {  	_ =	shalt  }
0x41: {  	_ =	shalt  }
0x42: {  	_ =	shalt  }
0x43: {  	_ =	shalt  }
0x44: {  	_ =	shalt  }
0x45: {  	_ =	shalt  }
0x46: {  	_ =	shalt  }
0x47: {  	_ =	shalt  }
0x48: {  	_ =	shalt  }
0x49: {  	_ =	shalt  }
0x4a: {  	_ =	shalt  }
0x4b: {  	_ =	shalt  }
0x4c: {  	_ =	shalt  }
0x4d: {  	_ =	shalt  }
0x4e: {  	_ =	shalt  }
0x4f: {  	_ =	shalt  }
0x50: {  	_ =	shalt  }
0x51: {  	_ =	shalt  }
0x52: {  	_ =	shalt  }
0x53: {  	_ =	shalt  }
0x54: {  	_ =	shalt  }
0x55: {  	_ =	shalt  }
0x56: {  	_ =	shalt  }
0x57: {  	_ =	shalt  }
0x58: {  	_ =	shalt  }
0x59: {  	_ =	shalt  }
0x5a: {  	_ =	shalt  }
0x5b: {  	_ =	shalt  }
0x5c: {  	_ =	shalt  }
0x5d: {  	_ =	shalt  }
0x5e: {  	_ =	shalt  }
0x5f: {  	_ =	shalt  }
0x60: {  	_ =	shalt  }
0x61: {  	_ =	shalt  }
0x62: {  	_ =	shalt  }
0x63: {  	_ =	shalt  }
0x64: {  	_ =	shalt  }
0x65: {  	_ =	shalt  }
0x66: {  	_ =	shalt  }
0x67: {  	_ =	shalt  }
0x68: {  	_ =	shalt  }
0x69: {  	_ =	shalt  }
0x6a: {  	_ =	shalt  }
0x6b: {  	_ =	shalt  }
0x6c: {  	_ =	shalt  }
0x6d: {  	_ =	shalt  }
0x6e: {  	_ =	shalt  }
0x6f: {  	_ =	shalt  }
0x70: {  	_ =	shalt  }
0x71: {  	_ =	shalt  }
0x72: {  	_ =	shalt  }
0x73: {  	_ =	shalt  }
0x74: {  	_ =	shalt  }
0x75: {  	_ =	shalt  }
0x76: {  	_ =	shalt  }
0x77: {  	_ =	shalt  }
0x78: {  	_ =	shalt  }
0x79: {  	_ =	shalt  }
0x7a: {  	_ =	shalt  }
0x7b: {  	_ =	shalt  }
0x7c: {  	_ =	shalt  }
0x7d: {  	_ =	shalt  }
0x7e: {  	_ =	shalt  }
0x7f: {  	_ =	shalt  }
0x80: {  	_ =	shalt  }
0x81: {  	_ =	shalt  }
0x82: {  	_ =	shalt  }
0x83: {  	_ =	shalt  }
0x84: {  	_ =	shalt  }
0x85: {  	_ =	shalt  }
0x86: {  	_ =	shalt  }
0x87: {  	_ =	shalt  }
.Lfunc_end0:
.L_simem_size_0:
called_computation_lowered:
.L_overlay_start_0:
0x88: {  	s2 =	sld [smem:$0x3FD9]  }
0x89: {  	s3 =	sld [smem:$0x3FFE];
	_ =	sdelay $0x1  }
0x8a: {  	s1 =	srdreg.scid  }
0x8b: {  	s0 =	sand.u32 $0x1, s1  }
0x8c: {  	s17 =	sshll.u32 s0, $0xA;
	s2 =	sadd.s32 s3, s2  }
0x8d: {  	s2 =	sadd.s32 s2, s17  }
0x8e: {  	[smem:$0x3FC6] =	sst s2  }
0x8f: {  	_ = 	snop  }
0x90: {  	s2 =	sld [smem:$0x3FC8]  }
0x91: {  	s18 =	sld [smem:$0x3FD0];
	(tm) =	ssettm $0x1  }
0x92: {  	s4 =	sld [smem:$0x3FFB];
	_ =	sdelay $0x3  }
0x93: {  	_ =	strace s4  }
0x94: {  	s4 =	sld [smem:$0x3FFC];
	_ =	sdelay $0x3  }
0x95: {  	_ =	strace s4  }
0x96: {  	s4 =	sld [smem:$0x3FFD];
	_ =	sdelay $0x3  }
0x97: {  	_ =	strace s4  }
0x98: {  	_ =	strace $0x8FFFFFFF  }
0x99: {  	s19 =	sld [smem:$0x3FDB];
	_ =	sdelay $0x1  }
0x9a: {  	s5 =	simm.s32 $_scs_section_size  }
0x9b: {  	s6 =	simm.s32 $_size__tile_overlayer_lowered;
	s7 =	simm.s32 $_tile_overlayer_lowered  }
0x9c: {  	s22 =	simm.s32 $0x1BFF;
	s21 =	sshll.u32 s7, $0x1;
	s4 =	sadd.s32 s5, s19  }
0x9d: {  	s8 =	simm.s32 $0x0;
	s20 =	sshll.u32 s6, $0x1;
	s6 =	sadd.s32 s21, s4  }
0x9e: {  	[timem:s8], [sflag:s22] =	dma.local [hbm:s6], s20  }
0x9f: {  	_ =	swait.ge [sflag:s22], s20  }
0xa0: {  	s5 =	ssub.s32 $0x0, s20;
	[sflag:s22] =	ssyncset.done $0x0  }
0xa1: {  	[sflag:s22] =	ssyncadd.s32 s5;
	_ =	sdelay $0x1  }
0xa2: {  	s23 =	simm.s32 $0x1B8B  }
0xa3: {  	_ =	swait.ge [sflag:s23], $0x1  }
0xa4: {  	[sflag:s23] =	ssyncset.done $0x0  }
0xa5: {  	s25 =	simm.s32 $0x1B8E;
	s24 =	sld [smem:$0x3FFE];
	[sflag:s23] =	ssyncadd.s32 $0xFFFFFFFF  }
0xa6: {  	s26 =	simm.s32 $execute0_lowered;
	[smem:$0x3FD2] =	sst s25  }
0xa7: {  	s6 =	sshll.u32 s26, $0x1;
	_ =	strace $0x80000046;
	[dreg:$0x1] =	wrdreg $0xFFFFFFFF  }
0xa8: {  	s28 =	simm.s32 $_size_execute0_lowered;
	s4 =	sadd.s32 s4, s6;
	[dreg:$0x0] =	wrdreg $0x0  }
0xa9: {  	s6 =	sshll.u32 s28, $0x1;
	[dreg:$0x2] =	wrdreg s4  }
0xaa: {  	[dreg:$0x3] =	wrdreg s6  }
0xab: {  	[dreg:$0x4] =	wrdreg $0xC0  }
0xac: {  	_ =	task [dreg:s8], $0x5FFFF  }
0xad: {  	[dreg:$0x1] =	wrdreg $0xFFFFFFFF  }
0xae: {  	[dreg:$0x0] =	wrdreg $0x60  }
0xaf: {  	[dreg:$0x2] =	wrdreg s24  }
0xb0: {  	[dreg:$0x3] =	wrdreg s2  }
0xb1: {  	[dreg:$0x4] =	wrdreg s18  }
0xb2: {  	[dreg:$0x5] =	wrdreg $0x164000  }
0xb3: {  	[dreg:$0x6] =	wrdreg $0x9  }
0xb4: {  	_ =	task.clear_ibuf [dreg:s8], $0x7FFFF;
	_ =	strace $0x90000046  }
0xb5: {  	s29 =	simm.s32 $0x9;
	_ =	strace $0x80000048  }
0xb6: {  	_ =	swait.ge [sflag:s29], $0x1  }
0xb7: {  	[sflag:s29] =	ssyncadd.s32 $0xFFFFFFFF  }
0xb8: {  	_ =	strace $0x90000048  }
0xb9: {  	_ =	sfence  }
0xba: {  	s30 =	sld [smem:$0x0];
	_ =	sdelay $0x2  }
0xbb: {  	s31 =	sshll.u32 s1, $0xD;
	s1 =	sshrl.u32 s1, $0x2  }
0xbc: {  	s3 =	sand.u32 $0x4000, s31;
	s1 =	sadd.s32 s1, s30  }
0xbd: {  	s0 =	sor.u32 s3, s0;
	s1 =	sshll.u32 s1, $0x11  }
0xbe: {  	s0 =	sor.u32 s1, s0  }
0xbf: {  	s0 =	sadd.s32 $0x8F2B, s0  }
0xc0: {  	[sflag:s0] =	ssyncadd.remote.s32 $0x1  }
0xc1: {  	_ =	sfence.sel $0xFFFF  }
0xc2: {  	[dreg:$0x0] =	wrdreg $0xFFFFFFFF;
	(pc) =	sbr.abs _section_cstart, $3  }
0xc3: {  	[dreg:$0x1] =	wrdreg $0xFFFFFFFF  }
0xc4: {  	_ =	task.clear_ibuf [dreg:s8], $0x2FFFF;
	_ =	strace $0x9FFFFFFF  }
0xc5: {  	(tm) =	ssettm $0x7FFFFFFF  }
tec
execute0_lowered:
.L_overlay_start_1:
0x0: {  	(tag) =	ssettag $0x1  }
0x1: {  	s4 =	rddreg [dreg:$0x0]  }
0x2: {  	s0 =	rddreg [dreg:$0x1]  }
0x3: {  	s1 =	srdreg.scid;
	s12 =	rddreg [dreg:$0x2]  }
0x4: {  	s11 =	stileid.u32;
	s2 =	rddreg [dreg:$0x3];
	s3 =	simm.s32 $0x0  }
0x5: {  	s16 =	simm.s32 $0xA400;
	s17 =	simm.s32 $0x100;
	s18 =	simm.s32 $0xE400  }
0x6: {  	s19 =	simm.s32 $0x180;
	s20 =	simm.s32 $0x12400;
	s21 =	simm.s32 $0x1  }
0x7: {  	s22 =	simm.s32 $0x2;
	s23 =	simm.s32 $0x3;
	s24 =	simm.s32 $0x4  }
0x8: {  	s25 =	simm.s32 $0x0;
	s10 =	sand.u32 $0x1, s1;
	s13 =	smul.u32 $0x640000, s11  }
0x9: {  	s29 =	sshll.u32 s11, $0x1;
	s1 =	rddreg [dreg:$0x4];
	s31 =	smul.u32 $0xC8000, s11  }
0xa: {  	[smem:$0x7FF] =	sst s3;
	s5 =	sor.u32 s10, s29;
	s14 =	smul.u32 $0x320000, s10  }
0xb: {  	p0 =	sne.s32 s11, $0x0;
	s7 =	ssub.s32 $0x2, s10;
	s6 =	smul.u32 $0x6400, s5  }
0xc: {  	_ =	strace $0x80000047;
	s5 =	smul.u32 $0x320000, s5;
	s30 =	sshrl.u32 s7, $0x1  }
0xd: {  	s15 =	smul.u32 $0x64000, s10;
	s9 =	ssub.s32 s7, s30;
	s13 =	sadd.s32 s14, s13  }
0xe: {  	s14 =	simm.s32 $0x80;
	s6 =	sshrl.u32 s6, $0x3;
	s5 =	sshrl.u32 s5, $0x3  }
0xf: {  	s9 =	smax.u32 s9, $0x1;
	s13 =	sshrl.u32 s13, $0x3;
	s4 =	sadd.s32 s6, s4  }
0x10: {  	s8 =	sadd.s32 s12, s5;
	s10 =	sadd.s32 s13, s12;
	s12 =	sadd.s32 s31, s12  }
0x11: {  	s13 =	simm.s32 $0x5;
	s4 =	sadd.s32 $0x400, s4;
	s5 =	sadd.s32 $0x62000, s8  }
0x12: {  	s6 =	sadd.s32 $0x62800, s8;
	s7 =	sadd.s32 $0x63000, s8;
	s8 =	sadd.s32 $0x63800, s8  }
0x13: {  	s11 =	sadd.s32 s15, s12;
	s12 =	sshrl.u32 @!p0 s2, $0x3;
	s15 =	simm.s32 $0x6400  }
.LBB2_1:
0x14: {  	s26 =	simm.s32 @!p0 $0x1C05  }
0x15: {  	[spmem:s12], [sflag:s26] =	dma.local @!p0 [hbm:s0], $0xC80  }
0x16: {  	s26 =	simm.s32 @!p0 $0x5  }
0x17: {  	_ =	swait.ge @!p0 [sflag:s26], $0xC80  }
0x18: {  	[sflag:s26] =	ssyncset.done @!p0 $0x0  }
0x19: {  	[sflag:s26] =	ssyncadd.s32 @!p0 $0xFFFFF380  }
0x1a: {  	[tilespmem:s3], [sflag:$0x5] =	stream.linear.gather [hbm4b:s4+s3], $0x6400, $0x38;
	[tilespmem:$0x16A40] =	vst v63  }
0x1b: {  	_ =	swait.ge [sflag:s13], $0x6400  }
0x1c: {  	[sflag:s13] =	ssyncset.done $0x0  }
0x1d: {  	[sflag:s13] =	ssyncadd.s32 $0xFFFF9C00  }
0x1e: {  	[bflag:$0x0] =	sbarrier.arrive $0xFFFF  }
0x1f: {  	[tilespmem:s15], [sflag:$0x1] =	stream.indirect.gather [spmem:s2], $0x80, s3, s14, $0xb8;
	[tilespmem:$0x16A40] =	vst v63  }
0x20: {  	_ = 	snop  }
0x21: {  	[tilespmem:s16], [sflag:$0x1] =	stream.indirect.gather [spmem:s2], $0x80, s14, s14, $0xb8;
	[tilespmem:$0x16A40] =	vst v63  }
0x22: {  	_ = 	snop  }
0x23: {  	[tilespmem:s18], [sflag:$0x2] =	stream.indirect.gather [spmem:s2], $0x80, s17, s14, $0xb8;
	[tilespmem:$0x16A40] =	vst v63  }
0x24: {  	_ = 	snop  }
0x25: {  	[tilespmem:s20], [sflag:$0x2] =	stream.indirect.gather [spmem:s2], $0x80, s19, s14, $0xb8;
	[tilespmem:$0x16A40] =	vst v63  }
0x26: {  	_ =	swait.ge [sflag:s21], $0x4000  }
0x27: {  	[sflag:s21] =	ssyncset.done $0x0  }
0x28: {  	[sflag:s21] =	ssyncadd.s32 $0xFFFFC000  }
0x29: {  	_ =	swait.ge [sflag:s21], $0x4000  }
0x2a: {  	[sflag:s21] =	ssyncset.done $0x0  }
0x2b: {  	s31 =	sadd.s32 $0x0, s10;
	s28 =	sadd.s32 $0x0, s11;
	[sflag:s21] =	ssyncadd.s32 $0xFFFFC000  }
0x2c: {  	[hbm4b:s31+s3] =	stream.linear.scatter [tilespmem:s15], [sflag:$0x3], $0x4000, $0x38;
	[tilespmem:$0x16A40] =	vst v63  }
0x2d: {  	s30 =	sadd.s32 $0x800, s28  }
0x2e: {  	[hbm4b:s30+s3] =	stream.linear.scatter [tilespmem:s16], [sflag:$0x3], $0x4000, $0x38;
	[tilespmem:$0x16A40] =	vst v63  }
0x2f: {  	_ =	swait.ge [sflag:s22], $0x4000  }
0x30: {  	[sflag:s22] =	ssyncset.done $0x0  }
0x31: {  	[sflag:s22] =	ssyncadd.s32 $0xFFFFC000  }
0x32: {  	_ =	swait.ge [sflag:s22], $0x4000  }
0x33: {  	[sflag:s22] =	ssyncset.done $0x0  }
0x34: {  	s31 =	sadd.s32 $0x1000, s28;
	[sflag:s22] =	ssyncadd.s32 $0xFFFFC000  }
0x35: {  	[hbm4b:s31+s3] =	stream.linear.scatter [tilespmem:s18], [sflag:$0x4], $0x4000, $0x38;
	[tilespmem:$0x16A40] =	vst v63  }
0x36: {  	s30 =	sadd.s32 $0x1800, s28  }
0x37: {  	[hbm4b:s30+s3] =	stream.linear.scatter [tilespmem:s20], [sflag:$0x4], $0x4000, $0x38;
	[tilespmem:$0x16A40] =	vst v63  }
0x38: {  	_ =	swait.ge [sflag:s23], $0x4000  }
0x39: {  	[sflag:s23] =	ssyncset.done $0x0  }
0x3a: {  	[sflag:s23] =	ssyncadd.s32 $0xFFFFC000  }
0x3b: {  	_ =	swait.ge [sflag:s23], $0x4000  }
0x3c: {  	[sflag:s23] =	ssyncset.done $0x0  }
0x3d: {  	s31 =	simm.s32 $0x200;
	[sflag:s23] =	ssyncadd.s32 $0xFFFFC000  }
0x3e: {  	[tilespmem:s15], [sflag:$0x1] =	stream.indirect.gather [spmem:s2], $0x80, s31, s14, $0xb8;
	[tilespmem:$0x16A40] =	vst v63  }
0x3f: {  	s30 =	simm.s32 $0x280  }
0x40: {  	[tilespmem:s16], [sflag:$0x1] =	stream.indirect.gather [spmem:s2], $0x80, s30, s14, $0xb8;
	[tilespmem:$0x16A40] =	vst v63  }
0x41: {  	_ =	swait.ge [sflag:s24], $0x4000  }
0x42: {  	[sflag:s24] =	ssyncset.done $0x0  }
0x43: {  	[sflag:s24] =	ssyncadd.s32 $0xFFFFC000  }
0x44: {  	_ =	swait.ge [sflag:s24], $0x4000  }
0x45: {  	s29 =	simm.s32 $0x580;
	s26 =	simm.s32 $0x380;
	[sflag:s24] =	ssyncset.done $0x0  }
0x46: {  	s28 =	simm.s32 $0x2000;
	s31 =	simm.s32 $0x300;
	[sflag:s24] =	ssyncadd.s32 $0xFFFFC000  }
0x47: {  	[tilespmem:s18], [sflag:$0x2] =	stream.indirect.gather [spmem:s2], $0x80, s31, s14, $0xb8;
	[tilespmem:$0x16A40] =	vst v63  }
.LBB2_2:
0x48: {  	[tilespmem:s20], [sflag:$0x2] =	stream.indirect.gather [spmem:s2], $0x80, s26, s14, $0xb8;
	[tilespmem:$0x16A40] =	vst v63  }
0x49: {  	s30 =	smov.u32 s28;
	s26 =	smov.u32 s29  }
0x4a: {  	p1 =	sne.s32 s28, $0x60000;
	s28 =	sadd.s32 $0x2000, s28;
	_ =	swait.ge [sflag:s21], $0x4000  }
0x4b: {  	[sflag:s21] =	ssyncset.done $0x0  }
0x4c: {  	[sflag:s21] =	ssyncadd.s32 $0xFFFFC000  }
0x4d: {  	_ =	swait.ge [sflag:s21], $0x4000  }
0x4e: {  	[sflag:s21] =	ssyncset.done $0x0  }
0x4f: {  	s31 =	sadd.s32 s30, s10;
	s30 =	sadd.s32 s30, s11;
	[sflag:s21] =	ssyncadd.s32 $0xFFFFC000  }
0x50: {  	[hbm4b:s31+s3] =	stream.linear.scatter [tilespmem:s15], [sflag:$0x3], $0x4000, $0x38;
	[tilespmem:$0x16A40] =	vst v63  }
0x51: {  	s31 =	sadd.s32 $0x800, s30  }
0x52: {  	[hbm4b:s31+s3] =	stream.linear.scatter [tilespmem:s16], [sflag:$0x3], $0x4000, $0x38;
	[tilespmem:$0x16A40] =	vst v63  }
0x53: {  	_ =	swait.ge [sflag:s22], $0x4000  }
0x54: {  	[sflag:s22] =	ssyncset.done $0x0  }
0x55: {  	[sflag:s22] =	ssyncadd.s32 $0xFFFFC000  }
0x56: {  	_ =	swait.ge [sflag:s22], $0x4000  }
0x57: {  	[sflag:s22] =	ssyncset.done $0x0  }
0x58: {  	s31 =	sadd.s32 $0x1000, s30;
	[sflag:s22] =	ssyncadd.s32 $0xFFFFC000  }
0x59: {  	[hbm4b:s31+s3] =	stream.linear.scatter [tilespmem:s18], [sflag:$0x4], $0x4000, $0x38;
	[tilespmem:$0x16A40] =	vst v63  }
0x5a: {  	s30 =	sadd.s32 $0x1800, s30  }
0x5b: {  	[hbm4b:s30+s3] =	stream.linear.scatter [tilespmem:s20], [sflag:$0x4], $0x4000, $0x38;
	[tilespmem:$0x16A40] =	vst v63  }
0x5c: {  	_ =	swait.ge [sflag:s23], $0x4000  }
0x5d: {  	[sflag:s23] =	ssyncset.done $0x0  }
0x5e: {  	[sflag:s23] =	ssyncadd.s32 $0xFFFFC000  }
0x5f: {  	_ =	swait.ge [sflag:s23], $0x4000  }
0x60: {  	[sflag:s23] =	ssyncset.done $0x0  }
0x61: {  	s30 =	sadd.s32 $0xFFFFFE80, s29;
	[sflag:s23] =	ssyncadd.s32 $0xFFFFC000  }
0x62: {  	[tilespmem:s15], [sflag:$0x1] =	stream.indirect.gather [spmem:s2], $0x80, s30, s14, $0xb8;
	[tilespmem:$0x16A40] =	vst v63  }
0x63: {  	s30 =	sadd.s32 $0xFFFFFF00, s29  }
0x64: {  	[tilespmem:s16], [sflag:$0x1] =	stream.indirect.gather [spmem:s2], $0x80, s30, s14, $0xb8;
	[tilespmem:$0x16A40] =	vst v63  }
0x65: {  	_ =	swait.ge [sflag:s24], $0x4000  }
0x66: {  	[sflag:s24] =	ssyncset.done $0x0  }
0x67: {  	[sflag:s24] =	ssyncadd.s32 $0xFFFFC000  }
.Ltmp0:
0x68: {  	_ =	swait.ge [sflag:s24], $0x4000;
	(pc) =	sbr.rel @p1 .LBB2_2-.Ltmp0, $4  }
0x69: {  	[sflag:s24] =	ssyncset.done $0x0  }
0x6a: {  	s30 =	sadd.s32 $0xFFFFFF80, s29;
	[sflag:s24] =	ssyncadd.s32 $0xFFFFC000  }
0x6b: {  	[tilespmem:s18], [sflag:$0x2] =	stream.indirect.gather [spmem:s2], $0x80, s30, s14, $0xb8;
	[tilespmem:$0x16A40] =	vst v63  }
0x6c: {  	s29 =	sadd.s32 $0x200, s29  }
0x6d: {  	[tilespmem:s20], [sflag:$0x2] =	stream.indirect.gather [spmem:s2], $0x80, s26, s14, $0xb8;
	[tilespmem:$0x16A40] =	vst v63  }
0x6e: {  	_ =	swait.ge [sflag:s21], $0x4000  }
0x6f: {  	[sflag:s21] =	ssyncset.done $0x0  }
0x70: {  	[sflag:s21] =	ssyncadd.s32 $0xFFFFC000  }
0x71: {  	_ =	swait.ge [sflag:s21], $0x4000  }
0x72: {  	[sflag:s21] =	ssyncset.done $0x0  }
0x73: {  	[sflag:s21] =	ssyncadd.s32 $0xFFFFC000  }
0x74: {  	[hbm4b:s5+s3] =	stream.linear.scatter [tilespmem:s15], [sflag:$0x3], $0x4000, $0x38;
	[tilespmem:$0x16A40] =	vst v63  }
0x75: {  	_ = 	snop  }
0x76: {  	[hbm4b:s6+s3] =	stream.linear.scatter [tilespmem:s16], [sflag:$0x3], $0x4000, $0x38;
	[tilespmem:$0x16A40] =	vst v63  }
0x77: {  	_ =	swait.ge [sflag:s22], $0x4000  }
0x78: {  	[sflag:s22] =	ssyncset.done $0x0  }
0x79: {  	[sflag:s22] =	ssyncadd.s32 $0xFFFFC000  }
0x7a: {  	_ =	swait.ge [sflag:s22], $0x4000  }
0x7b: {  	[sflag:s22] =	ssyncset.done $0x0  }
0x7c: {  	[sflag:s22] =	ssyncadd.s32 $0xFFFFC000  }
0x7d: {  	[hbm4b:s7+s3] =	stream.linear.scatter [tilespmem:s18], [sflag:$0x4], $0x4000, $0x38;
	[tilespmem:$0x16A40] =	vst v63  }
0x7e: {  	_ = 	snop  }
0x7f: {  	[hbm4b:s8+s3] =	stream.linear.scatter [tilespmem:s20], [sflag:$0x4], $0x4000, $0x38;
	[tilespmem:$0x16A40] =	vst v63  }
0x80: {  	_ =	swait.ge [sflag:s23], $0x4000  }
0x81: {  	[sflag:s23] =	ssyncset.done $0x0  }
0x82: {  	[sflag:s23] =	ssyncadd.s32 $0xFFFFC000  }
0x83: {  	_ =	swait.ge [sflag:s23], $0x4000  }
0x84: {  	[sflag:s23] =	ssyncset.done $0x0  }
0x85: {  	s25 =	sadd.s32 $0x1, s25;
	[sflag:s23] =	ssyncadd.s32 $0xFFFFC000  }
0x86: {  	p1 =	sne.s32 s25, s9;
	_ =	swait.ge [sflag:s24], $0x4000  }
.Ltmp1:
0x87: {  	[sflag:s24] =	ssyncset.done $0x0;
	(pc) =	sbr.rel @p1 .LBB2_1-.Ltmp1, $4  }
0x88: {  	[sflag:s24] =	ssyncadd.s32 $0xFFFFC000  }
0x89: {  	_ =	swait.ge [sflag:s24], $0x4000  }
0x8a: {  	[sflag:s24] =	ssyncset.done $0x0  }
0x8b: {  	[sflag:s24] =	ssyncadd.s32 $0xFFFFC000  }
0x8c: {  	_ =	sfence.sel $0x180000  }
0x8d: {  	[bflag:$0x0] =	sbarrier.arrive $0xFFFF  }
0x8e: {  	_ =	strace $0x90000047  }
0x8f: {  	s0 =	sadd.s32 @!p0 $0x100000, s1;
	[bflag:$0x2] =	sbarrier.arrive $0xFFFF  }
0x90: {  	[sflag:s0] =	ssyncadd.tile.s32 @!p0 $0x1;
	_ =	shalt  }
.Lfunc_end2:
_tile_overlayer_lowered:
.L_overlay_start_2:
0x91: {  	(tag) =	ssettag $0x2  }
0x92: {  	s0 =	rddreg [dreg:$0x0];
	s2 =	stileid.u32  }
0x93: {  	s1 =	rddreg [dreg:$0x1];
	p0 =	sne.s32 s2, $0x0  }
0x94: {  	s3 =	rddreg [dreg:$0x2];
	[bflag:$0x3] =	sbarrier.arrive $0xFFFF;
	s2 =	simm.s32 @!p0 $0x1C05  }
0x95: {  	[timem:s3], [sflag:s2] =	dma.local @!p0 [hbm:s0], s1  }
0x96: {  	s0 =	simm.s32 @!p0 $0x5  }
0x97: {  	_ =	swait.ge @!p0 [sflag:s0], s1  }
0x98: {  	s1 =	ssub.s32 @!p0 $0x0, s1;
	[sflag:s0] =	ssyncset.done @!p0 $0x0  }
0x99: {  	[sflag:s0] =	ssyncadd.s32 @!p0 s1  }
0x9a: {  	[bflag:$0x3] =	sbarrier.arrive $0xFFFF  }
0x9b: {  	_ =	shalt  }

</sc_bundles>
